<compile_context>
chip_gen: v7x
topology: tpu7x:2x2x1
jax: 0.10.2.dev20260603
libtpu: 0.0.44.dev20260713+nightly
codegen_flags: <defaults>
</compile_context>

<pallas_src>
import functools

import jax
import jax.numpy as jnp
from jax import lax
from jax.experimental import pallas as pl
from jax.experimental.pallas import tpu as pltpu
from jax.experimental.pallas import tpu_sc as plsc

_B = 16384
_D = 64
_W = 2 * _D
_NC, _NS = 2, 16
_NW = _NC * _NS
_RPW = _B // _NW
_G = 16
_NG = _RPW // _G


def _gather_body(idx_hbm, tab, out, idx_v, buf, gsem, wsem):
    wid = lax.axis_index("s") * _NC + lax.axis_index("c")
    base = wid * _RPW
    pltpu.sync_copy(idx_hbm.at[pl.ds(base, _RPW)], idx_v)

    def fire(j, _):
        iv = idx_v[pl.ds(j * _G, _G)]
        pltpu.async_copy(tab.at[iv], buf.at[pl.ds(j * _G, _G)], gsem)
        return 0

    lax.fori_loop(0, _NG, fire, 0)

    def drain(j, _):
        pltpu.make_async_copy(tab.at[pl.ds(0, _G)], buf.at[pl.ds(0, _G)],
                              gsem).wait()
        return 0

    lax.fori_loop(0, _NG, drain, 0)
    pltpu.async_copy(buf, out.at[pl.ds(base, _RPW)], wsem).wait()


_gather2 = functools.partial(
    pl.kernel,
    out_type=jax.ShapeDtypeStruct((_B, _W), jnp.float32),
    mesh=plsc.VectorSubcoreMesh(core_axis_name="c", subcore_axis_name="s"),
    scratch_types=[
        pltpu.VMEM((_RPW,), jnp.int32),
        pltpu.VMEM((_RPW, _W), jnp.float32),
        pltpu.SemaphoreType.DMA,
        pltpu.SemaphoreType.DMA,
    ],
    compiler_params=pltpu.CompilerParams(use_tc_tiling_on_sc=False),
)(_gather_body)


_BLK = 2048


def _mlp_body(gu_ref, gi_ref,
              w1_ref, b1_ref, w2_ref, b2_ref, w3_ref, b3_ref,
              wf_ref, bf_ref, out_ref):
    dn = (((1,), (1,)), ((), ()))
    f32 = jnp.float32
    gu = gu_ref[...]
    gi = gi_ref[...]
    w1 = w1_ref[...]
    h = lax.dot_general(gu[:, _D:], w1[:, :_D], dn, preferred_element_type=f32)
    h = h + lax.dot_general(gi[:, _D:], w1[:, _D:], dn, preferred_element_type=f32)
    h = jnp.maximum(h + b1_ref[...], 0.0)
    h = lax.dot_general(h, w2_ref[...], dn, preferred_element_type=f32)
    h = jnp.maximum(h + b2_ref[...], 0.0)
    h = lax.dot_general(h, w3_ref[...], dn, preferred_element_type=f32)
    h = jnp.maximum(h + b3_ref[...], 0.0)
    xmf = gu[:, :_D] * gi[:, :_D]
    wf = wf_ref[...]
    logit = lax.dot_general(xmf, wf[:, :_D], dn, preferred_element_type=f32)
    logit = logit + lax.dot_general(h, wf[:, _D:], dn, preferred_element_type=f32)
    out_ref[...] = jax.nn.sigmoid(logit + bf_ref[...])


def kernel(user, item, mf_user_embed, mf_item_embed, mlp_user_embed,
           mlp_item_embed, W1, b1, W2, b2, W3, b3, Wf, bf):
    cu = jnp.concatenate([mf_user_embed, mlp_user_embed], axis=1)
    ci = jnp.concatenate([mf_item_embed, mlp_item_embed], axis=1)
    gu = _gather2(user, cu)
    gi = _gather2(item, ci)
    full = lambda shape: pl.BlockSpec(shape, lambda i: (0,) * len(shape))
    row = lambda w: pl.BlockSpec((_BLK, w), lambda i: (i, 0))
    out = pl.pallas_call(
        _mlp_body,
        grid=(_B // _BLK,),
        in_specs=[
            row(_W), row(_W),
            full((64, 128)), full((1, 64)),
            full((32, 64)), full((1, 32)),
            full((16, 32)), full((1, 16)),
            full((1, 80)), full((1, 1)),
        ],
        out_specs=pl.BlockSpec((_BLK, 1), lambda i: (i, 0)),
        out_shape=jax.ShapeDtypeStruct((_B, 1), jnp.float32),
    )(gu, gi,
      W1, b1.reshape(1, 64), W2, b2.reshape(1, 32), W3, b3.reshape(1, 16),
      Wf, bf.reshape(1, 1))
    return out

# --- scband reference (transcript-rebuilt; emitter-appended) ---
"""Pipeline reference for scband-neu-mf-996432413157 (READ-ONLY COPY).

The authoritative reference and input builder live on the scoring server;
editing this copy changes nothing except your own understanding.
"""

import jax, jax.numpy as jnp
import numpy as np

NB_USERS = 1000000
NB_ITEMS = 1000000
MF_DIM = 64
LAYERS = [128, 64, 32, 16]
BATCH = 16384


def setup_inputs(seed: int = 0) -> dict:
    key = jax.random.key(seed)
    ks = jax.random.split(key, 16)
    user = jax.random.randint(ks[0], (BATCH,), 0, NB_USERS, dtype=jnp.int32)
    item = jax.random.randint(ks[1], (BATCH,), 0, NB_ITEMS, dtype=jnp.int32)
    mf_user_embed = jax.random.normal(ks[2], (NB_USERS, MF_DIM), dtype=jnp.float32) * 0.01
    mf_item_embed = jax.random.normal(ks[3], (NB_ITEMS, MF_DIM), dtype=jnp.float32) * 0.01
    mlp_user_embed = jax.random.normal(ks[4], (NB_USERS, LAYERS[0] // 2), dtype=jnp.float32) * 0.01
    mlp_item_embed = jax.random.normal(ks[5], (NB_ITEMS, LAYERS[0] // 2), dtype=jnp.float32) * 0.01
    W1 = jax.random.normal(ks[6], (LAYERS[1], LAYERS[0]), dtype=jnp.float32) * (1.0 / np.sqrt(LAYERS[0]))
    b1 = jnp.zeros((LAYERS[1],), dtype=jnp.float32)
    W2 = jax.random.normal(ks[7], (LAYERS[2], LAYERS[1]), dtype=jnp.float32) * (1.0 / np.sqrt(LAYERS[1]))
    b2 = jnp.zeros((LAYERS[2],), dtype=jnp.float32)
    W3 = jax.random.normal(ks[8], (LAYERS[3], LAYERS[2]), dtype=jnp.float32) * (1.0 / np.sqrt(LAYERS[2]))
    b3 = jnp.zeros((LAYERS[3],), dtype=jnp.float32)
    Wf = jax.random.normal(ks[9], (1, LAYERS[3] + MF_DIM), dtype=jnp.float32) * (1.0 / np.sqrt(LAYERS[3] + MF_DIM))
    bf = jnp.zeros((1,), dtype=jnp.float32)
    return {
        'user': user, 'item': item,
        'mf_user_embed': mf_user_embed, 'mf_item_embed': mf_item_embed,
        'mlp_user_embed': mlp_user_embed, 'mlp_item_embed': mlp_item_embed,
        'W1': W1, 'b1': b1, 'W2': W2, 'b2': b2, 'W3': W3, 'b3': b3,
        'Wf': Wf, 'bf': bf,
    }


def reference(user, item, mf_user_embed, mf_item_embed, mlp_user_embed, mlp_item_embed,
              W1, b1, W2, b2, W3, b3, Wf, bf):
    # GMF branch: gather + elementwise product
    xmfu = jnp.take(mf_user_embed, user, axis=0)
    xmfi = jnp.take(mf_item_embed, item, axis=0)
    xmf = xmfu * xmfi
    # MLP branch: gather + concat + MLP tower
    xmlpu = jnp.take(mlp_user_embed, user, axis=0)
    xmlpi = jnp.take(mlp_item_embed, item, axis=0)
    xmlp = jnp.concatenate([xmlpu, xmlpi], axis=1)
    h = jax.nn.relu(xmlp @ W1.T + b1)
    h = jax.nn.relu(h @ W2.T + b2)
    h = jax.nn.relu(h @ W3.T + b3)
    x = jnp.concatenate([xmf, h], axis=1)
    x = x @ Wf.T + bf
    x = jax.nn.sigmoid(x)
    return x

if __name__ == "__main__":
    import jax
    _d = setup_inputs()
    print(jax.jit(kernel)(*tuple(_d.values())))

</pallas_src>

<mosaic_0001>
#map = affine_map<(d0, d1) -> (0)>
#map1 = affine_map<(d0, d1) -> (0, 0)>
module attributes {stable_mosaic.version = 14 : i64} {
  func.func @_gather_body(%arg0: i32, %arg1: i32, %arg2: memref<16384xi32, #tpu.memory_space<hbm>>, %arg3: memref<1000000x128xf32, #tpu.memory_space<hbm>>, %arg4: memref<16384x128xf32, #tpu.memory_space<hbm>>, %arg5: memref<512xi32, #tpu.memory_space<vmem>>, %arg6: memref<512x128xf32, #tpu.memory_space<vmem>>, %arg7: memref<!tpu.dma_semaphore, #tpu.memory_space<semaphore_mem>>, %arg8: memref<!tpu.dma_semaphore, #tpu.memory_space<semaphore_mem>>) attributes {dimension_semantics = [#tpu.dimension_semantics<core_parallel>, #tpu.dimension_semantics<subcore_parallel>], iteration_bounds = array<i64: 2, 16>, scalar_prefetch = 0 : i64, scratch_operands = 4 : i64, tpu.core_type = #tpu.core_type<sc_vector_subcore>, window_params = [{transform_indices = #map}, {transform_indices = #map1}, {transform_indices = #map1}]} {
    %mul3A = arith.constant 2 : i32
    %mul3A_0 = arith.muli %arg1, %mul3A : i32
    %add3A = arith.addi %mul3A_0, %arg0 : i32
    %mul3A_1 = arith.constant 512 : i32
    %mul3A_2 = arith.muli %add3A, %mul3A_1 : i32
    "tpu.region"() ({
      %run_scoped3A = tpu.sem_alloc : memref<!tpu.dma_semaphore, #tpu.memory_space<semaphore_mem>>
      %dma_start3A_22 = tpu.memref_slice %arg2[%mul3A_2] : memref<16384xi32, #tpu.memory_space<hbm>> -> memref<512xi32, #tpu.memory_space<hbm>>
      %dma_start3A_23 = tpu.memref_slice %arg2[%mul3A_2] : memref<16384xi32, #tpu.memory_space<hbm>> -> memref<512xi32, #tpu.memory_space<hbm>>
      tpu.enqueue_dma source(%dma_start3A_23 : memref<512xi32, #tpu.memory_space<hbm>>) target(%arg5 : memref<512xi32, #tpu.memory_space<vmem>>) target_semaphore(%run_scoped3A : memref<!tpu.dma_semaphore, #tpu.memory_space<semaphore_mem>>)
      %dma_wait3A_24 = tpu.memref_slice %arg2[%mul3A_2] : memref<16384xi32, #tpu.memory_space<hbm>> -> memref<512xi32, #tpu.memory_space<hbm>>
      %dma_wait3A_25 = tpu.memref_slice %arg2[%mul3A_2] : memref<16384xi32, #tpu.memory_space<hbm>> -> memref<512xi32, #tpu.memory_space<hbm>>
      tpu.wait_dma2 semaphore(%run_scoped3A : memref<!tpu.dma_semaphore, #tpu.memory_space<semaphore_mem>>) src(%dma_wait3A_25 : memref<512xi32, #tpu.memory_space<hbm>>) dst(%arg5 : memref<512xi32, #tpu.memory_space<vmem>>)
      tpu.yield
    }) : () -> ()
    %scan3A = arith.constant 0 : i32
    %scan3A_3 = arith.constant 0 : i32
    %scan3A_4 = arith.constant 32 : i32
    %scan3A_5 = arith.addi %scan3A_3, %scan3A_4 : i32
    %scan3A_6 = arith.constant 1 : i32
    %scan3A_7 = scf.for %scan3A_22 = %scan3A_3 to %scan3A_5 step %scan3A_6 iter_args(%scan3A_23 = %scan3A) -> (i32)  : i32 {
      %mul3A_24 = arith.constant 16 : i32
      %mul3A_25 = arith.muli %scan3A_22, %mul3A_24 : i32
      %get3A = arith.index_cast %mul3A_25 : i32 to index
      %get3A_26 = tpu.vector_load %arg5[%get3A] {strides = array<i32>} : memref<512xi32, #tpu.memory_space<vmem>>, vector<16xi32>,
      %get3A_27 = vector.shape_cast %get3A_26 : vector<16xi32> to vector<16xi32>
      %mul3A_28 = arith.constant 16 : i32
      %mul3A_29 = arith.muli %scan3A_22, %mul3A_28 : i32
      %dma_start3A_30 = arith.constant 0 : i32
      %dma_start3A_31 = tpu.memref_slice %arg6[%mul3A_29, %dma_start3A_30] : memref<512x128xf32, #tpu.memory_space<vmem>> -> memref<16x128xf32, #tpu.memory_space<vmem>>
      %dma_start3A_32 = arith.constant 0 : i32
      %dma_start3A_33 = arith.constant 0 : i32
      %dma_start3A_34 = tpu.memref_slice %arg3[%dma_start3A_32, %dma_start3A_33] : memref<1000000x128xf32, #tpu.memory_space<hbm>> -> memref<1000000x128xf32, #tpu.memory_space<hbm>>
      tpu.enqueue_indirect_dma source(%dma_start3A_34 : memref<1000000x128xf32, #tpu.memory_space<hbm>>) target(%dma_start3A_31 : memref<16x128xf32, #tpu.memory_space<vmem>>) offsets(%get3A_27 : vector<16xi32>) semaphore(%arg7 : memref<!tpu.dma_semaphore, #tpu.memory_space<semaphore_mem>>)
      %scan3A_35 = arith.constant 0 : i32
      scf.yield %scan3A_35 : i32
    }
    %scan3A_8 = arith.constant 32 : i32
    %scan3A_9 = arith.constant 0 : i32
    %scan3A_10 = arith.constant 0 : i32
    %scan3A_11 = arith.constant 32 : i32
    %scan3A_12 = arith.addi %scan3A_10, %scan3A_11 : i32
    %scan3A_13 = arith.constant 1 : i32
    %scan3A_14 = scf.for %scan3A_22 = %scan3A_10 to %scan3A_12 step %scan3A_13 iter_args(%scan3A_23 = %scan3A_9) -> (i32)  : i32 {
      %dma_wait3A_24 = arith.constant 0 : i32
      %dma_wait3A_25 = arith.constant 0 : i32
      %dma_wait3A_26 = tpu.memref_slice %arg6[%dma_wait3A_24, %dma_wait3A_25] : memref<512x128xf32, #tpu.memory_space<vmem>> -> memref<16x128xf32, #tpu.memory_space<vmem>>
      %dma_wait3A_27 = arith.constant 0 : i32
      %dma_wait3A_28 = arith.constant 0 : i32
      %dma_wait3A_29 = tpu.memref_slice %arg3[%dma_wait3A_27, %dma_wait3A_28] : memref<1000000x128xf32, #tpu.memory_space<hbm>> -> memref<16x128xf32, #tpu.memory_space<hbm>>
      %dma_wait3A_30 = arith.constant 0 : i32
      %dma_wait3A_31 = arith.constant 0 : i32
      %dma_wait3A_32 = tpu.memref_slice %arg6[%dma_wait3A_30, %dma_wait3A_31] : memref<512x128xf32, #tpu.memory_space<vmem>> -> memref<16x128xf32, #tpu.memory_space<vmem>>
      %dma_wait3A_33 = arith.constant 0 : i32
      %dma_wait3A_34 = arith.constant 0 : i32
      %dma_wait3A_35 = tpu.memref_slice %arg3[%dma_wait3A_33, %dma_wait3A_34] : memref<1000000x128xf32, #tpu.memory_space<hbm>> -> memref<16x128xf32, #tpu.memory_space<hbm>>
      tpu.wait_dma2 semaphore(%arg7 : memref<!tpu.dma_semaphore, #tpu.memory_space<semaphore_mem>>) src(%dma_wait3A_35 : memref<16x128xf32, #tpu.memory_space<hbm>>) dst(%dma_wait3A_32 : memref<16x128xf32, #tpu.memory_space<vmem>>)
      %scan3A_36 = arith.constant 0 : i32
      scf.yield %scan3A_36 : i32
    }
    %scan3A_15 = arith.constant 32 : i32
    %dma_start3A = arith.constant 0 : i32
    %dma_start3A_16 = tpu.memref_slice %arg4[%mul3A_2, %dma_start3A] : memref<16384x128xf32, #tpu.memory_space<hbm>> -> memref<512x128xf32, #tpu.memory_space<hbm>>
    %dma_start3A_17 = arith.constant 0 : i32
    %dma_start3A_18 = tpu.memref_slice %arg4[%mul3A_2, %dma_start3A_17] : memref<16384x128xf32, #tpu.memory_space<hbm>> -> memref<512x128xf32, #tpu.memory_space<hbm>>
    tpu.enqueue_dma source(%arg6 : memref<512x128xf32, #tpu.memory_space<vmem>>) target(%dma_start3A_18 : memref<512x128xf32, #tpu.memory_space<hbm>>) target_semaphore(%arg8 : memref<!tpu.dma_semaphore, #tpu.memory_space<semaphore_mem>>)
    %dma_wait3A = arith.constant 0 : i32
    %dma_wait3A_19 = tpu.memref_slice %arg4[%mul3A_2, %dma_wait3A] : memref<16384x128xf32, #tpu.memory_space<hbm>> -> memref<512x128xf32, #tpu.memory_space<hbm>>
    %dma_wait3A_20 = arith.constant 0 : i32
    %dma_wait3A_21 = tpu.memref_slice %arg4[%mul3A_2, %dma_wait3A_20] : memref<16384x128xf32, #tpu.memory_space<hbm>> -> memref<512x128xf32, #tpu.memory_space<hbm>>
    tpu.wait_dma2 semaphore(%arg8 : memref<!tpu.dma_semaphore, #tpu.memory_space<semaphore_mem>>) src(%arg6 : memref<512x128xf32, #tpu.memory_space<vmem>>) dst(%dma_wait3A_21 : memref<512x128xf32, #tpu.memory_space<hbm>>)
    return
  }
}

#map = affine_map<(d0, d1) -> (0)>
#map1 = affine_map<(d0, d1) -> (0, 0)>
module attributes {stable_mosaic.version = 14 : i64} {
  func.func @_gather_body(%arg0: i32, %arg1: i32, %arg2: memref<16384xi32, #tpu.memory_space<hbm>>, %arg3: memref<1000000x128xf32, #tpu.memory_space<hbm>>, %arg4: memref<16384x128xf32, #tpu.memory_space<hbm>>, %arg5: memref<512xi32, #tpu.memory_space<vmem>>, %arg6: memref<512x128xf32, #tpu.memory_space<vmem>>, %arg7: memref<!tpu.dma_semaphore, #tpu.memory_space<semaphore_mem>>, %arg8: memref<!tpu.dma_semaphore, #tpu.memory_space<semaphore_mem>>) attributes {dimension_semantics = [#tpu.dimension_semantics<core_parallel>, #tpu.dimension_semantics<subcore_parallel>], iteration_bounds = array<i64: 2, 16>, scalar_prefetch = 0 : i64, scratch_operands = 4 : i64, tpu.core_type = #tpu.core_type<sc_vector_subcore>, window_params = [{transform_indices = #map}, {transform_indices = #map1}, {transform_indices = #map1}]} {
    %mul3A = arith.constant 2 : i32
    %mul3A_0 = arith.muli %arg1, %mul3A : i32
    %add3A = arith.addi %mul3A_0, %arg0 : i32
    %mul3A_1 = arith.constant 512 : i32
    %mul3A_2 = arith.muli %add3A, %mul3A_1 : i32
    "tpu.region"() ({
      %run_scoped3A = tpu.sem_alloc : memref<!tpu.dma_semaphore, #tpu.memory_space<semaphore_mem>>
      %dma_start3A_22 = tpu.memref_slice %arg2[%mul3A_2] : memref<16384xi32, #tpu.memory_space<hbm>> -> memref<512xi32, #tpu.memory_space<hbm>>
      %dma_start3A_23 = tpu.memref_slice %arg2[%mul3A_2] : memref<16384xi32, #tpu.memory_space<hbm>> -> memref<512xi32, #tpu.memory_space<hbm>>
      tpu.enqueue_dma source(%dma_start3A_23 : memref<512xi32, #tpu.memory_space<hbm>>) target(%arg5 : memref<512xi32, #tpu.memory_space<vmem>>) target_semaphore(%run_scoped3A : memref<!tpu.dma_semaphore, #tpu.memory_space<semaphore_mem>>)
      %dma_wait3A_24 = tpu.memref_slice %arg2[%mul3A_2] : memref<16384xi32, #tpu.memory_space<hbm>> -> memref<512xi32, #tpu.memory_space<hbm>>
      %dma_wait3A_25 = tpu.memref_slice %arg2[%mul3A_2] : memref<16384xi32, #tpu.memory_space<hbm>> -> memref<512xi32, #tpu.memory_space<hbm>>
      tpu.wait_dma2 semaphore(%run_scoped3A : memref<!tpu.dma_semaphore, #tpu.memory_space<semaphore_mem>>) src(%dma_wait3A_25 : memref<512xi32, #tpu.memory_space<hbm>>) dst(%arg5 : memref<512xi32, #tpu.memory_space<vmem>>)
      tpu.yield
    }) : () -> ()
    %scan3A = arith.constant 0 : i32
    %scan3A_3 = arith.constant 0 : i32
    %scan3A_4 = arith.constant 32 : i32
    %scan3A_5 = arith.addi %scan3A_3, %scan3A_4 : i32
    %scan3A_6 = arith.constant 1 : i32
    %scan3A_7 = scf.for %scan3A_22 = %scan3A_3 to %scan3A_5 step %scan3A_6 iter_args(%scan3A_23 = %scan3A) -> (i32)  : i32 {
      %mul3A_24 = arith.constant 16 : i32
      %mul3A_25 = arith.muli %scan3A_22, %mul3A_24 : i32
      %get3A = arith.index_cast %mul3A_25 : i32 to index
      %get3A_26 = tpu.vector_load %arg5[%get3A] {strides = array<i32>} : memref<512xi32, #tpu.memory_space<vmem>>, vector<16xi32>,
      %get3A_27 = vector.shape_cast %get3A_26 : vector<16xi32> to vector<16xi32>
      %mul3A_28 = arith.constant 16 : i32
      %mul3A_29 = arith.muli %scan3A_22, %mul3A_28 : i32
      %dma_start3A_30 = arith.constant 0 : i32
      %dma_start3A_31 = tpu.memref_slice %arg6[%mul3A_29, %dma_start3A_30] : memref<512x128xf32, #tpu.memory_space<vmem>> -> memref<16x128xf32, #tpu.memory_space<vmem>>
      %dma_start3A_32 = arith.constant 0 : i32
      %dma_start3A_33 = arith.constant 0 : i32
      %dma_start3A_34 = tpu.memref_slice %arg3[%dma_start3A_32, %dma_start3A_33] : memref<1000000x128xf32, #tpu.memory_space<hbm>> -> memref<1000000x128xf32, #tpu.memory_space<hbm>>
      tpu.enqueue_indirect_dma source(%dma_start3A_34 : memref<1000000x128xf32, #tpu.memory_space<hbm>>) target(%dma_start3A_31 : memref<16x128xf32, #tpu.memory_space<vmem>>) offsets(%get3A_27 : vector<16xi32>) semaphore(%arg7 : memref<!tpu.dma_semaphore, #tpu.memory_space<semaphore_mem>>)
      %scan3A_35 = arith.constant 0 : i32
      scf.yield %scan3A_35 : i32
    }
    %scan3A_8 = arith.constant 32 : i32
    %scan3A_9 = arith.constant 0 : i32
    %scan3A_10 = arith.constant 0 : i32
    %scan3A_11 = arith.constant 32 : i32
    %scan3A_12 = arith.addi %scan3A_10, %scan3A_11 : i32
    %scan3A_13 = arith.constant 1 : i32
    %scan3A_14 = scf.for %scan3A_22 = %scan3A_10 to %scan3A_12 step %scan3A_13 iter_args(%scan3A_23 = %scan3A_9) -> (i32)  : i32 {
      %dma_wait3A_24 = arith.constant 0 : i32
      %dma_wait3A_25 = arith.constant 0 : i32
      %dma_wait3A_26 = tpu.memref_slice %arg6[%dma_wait3A_24, %dma_wait3A_25] : memref<512x128xf32, #tpu.memory_space<vmem>> -> memref<16x128xf32, #tpu.memory_space<vmem>>
      %dma_wait3A_27 = arith.constant 0 : i32
      %dma_wait3A_28 = arith.constant 0 : i32
      %dma_wait3A_29 = tpu.memref_slice %arg3[%dma_wait3A_27, %dma_wait3A_28] : memref<1000000x128xf32, #tpu.memory_space<hbm>> -> memref<16x128xf32, #tpu.memory_space<hbm>>
      %dma_wait3A_30 = arith.constant 0 : i32
      %dma_wait3A_31 = arith.constant 0 : i32
      %dma_wait3A_32 = tpu.memref_slice %arg6[%dma_wait3A_30, %dma_wait3A_31] : memref<512x128xf32, #tpu.memory_space<vmem>> -> memref<16x128xf32, #tpu.memory_space<vmem>>
      %dma_wait3A_33 = arith.constant 0 : i32
      %dma_wait3A_34 = arith.constant 0 : i32
      %dma_wait3A_35 = tpu.memref_slice %arg3[%dma_wait3A_33, %dma_wait3A_34] : memref<1000000x128xf32, #tpu.memory_space<hbm>> -> memref<16x128xf32, #tpu.memory_space<hbm>>
      tpu.wait_dma2 semaphore(%arg7 : memref<!tpu.dma_semaphore, #tpu.memory_space<semaphore_mem>>) src(%dma_wait3A_35 : memref<16x128xf32, #tpu.memory_space<hbm>>) dst(%dma_wait3A_32 : memref<16x128xf32, #tpu.memory_space<vmem>>)
      %scan3A_36 = arith.constant 0 : i32
      scf.yield %scan3A_36 : i32
    }
    %scan3A_15 = arith.constant 32 : i32
    %dma_start3A = arith.constant 0 : i32
    %dma_start3A_16 = tpu.memref_slice %arg4[%mul3A_2, %dma_start3A] : memref<16384x128xf32, #tpu.memory_space<hbm>> -> memref<512x128xf32, #tpu.memory_space<hbm>>
    %dma_start3A_17 = arith.constant 0 : i32
    %dma_start3A_18 = tpu.memref_slice %arg4[%mul3A_2, %dma_start3A_17] : memref<16384x128xf32, #tpu.memory_space<hbm>> -> memref<512x128xf32, #tpu.memory_space<hbm>>
    tpu.enqueue_dma source(%arg6 : memref<512x128xf32, #tpu.memory_space<vmem>>) target(%dma_start3A_18 : memref<512x128xf32, #tpu.memory_space<hbm>>) target_semaphore(%arg8 : memref<!tpu.dma_semaphore, #tpu.memory_space<semaphore_mem>>)
    %dma_wait3A = arith.constant 0 : i32
    %dma_wait3A_19 = tpu.memref_slice %arg4[%mul3A_2, %dma_wait3A] : memref<16384x128xf32, #tpu.memory_space<hbm>> -> memref<512x128xf32, #tpu.memory_space<hbm>>
    %dma_wait3A_20 = arith.constant 0 : i32
    %dma_wait3A_21 = tpu.memref_slice %arg4[%mul3A_2, %dma_wait3A_20] : memref<16384x128xf32, #tpu.memory_space<hbm>> -> memref<512x128xf32, #tpu.memory_space<hbm>>
    tpu.wait_dma2 semaphore(%arg8 : memref<!tpu.dma_semaphore, #tpu.memory_space<semaphore_mem>>) src(%arg6 : memref<512x128xf32, #tpu.memory_space<vmem>>) dst(%dma_wait3A_21 : memref<512x128xf32, #tpu.memory_space<hbm>>)
    return
  }
}

module attributes {stable_mosaic.version = 14 : i64} {
  func.func @_mlp_body(%arg0: i32, %arg1: memref<2048x128xf32, #tpu.memory_space<vmem>>, %arg2: memref<2048x128xf32, #tpu.memory_space<vmem>>, %arg3: memref<64x128xf32, #tpu.memory_space<vmem>>, %arg4: memref<1x64xf32, #tpu.memory_space<vmem>>, %arg5: memref<32x64xf32, #tpu.memory_space<vmem>>, %arg6: memref<1x32xf32, #tpu.memory_space<vmem>>, %arg7: memref<16x32xf32, #tpu.memory_space<vmem>>, %arg8: memref<1x16xf32, #tpu.memory_space<vmem>>, %arg9: memref<1x80xf32, #tpu.memory_space<vmem>>, %arg10: memref<1x1xf32, #tpu.memory_space<vmem>>, %arg11: memref<2048x1xf32, #tpu.memory_space<vmem>>) attributes {dimension_semantics = [#tpu.dimension_semantics<arbitrary>], iteration_bounds = array<i64: 8>, scalar_prefetch = 0 : i64, scratch_operands = 0 : i64, tpu.core_type = #tpu.core_type<tc>, window_params = [{transform_indices = @transform_0, window_bounds = array<i64: 2048, 128>}, {transform_indices = @transform_1, window_bounds = array<i64: 2048, 128>}, {pipeline_mode = #tpu.pipeline_mode<synchronous>, transform_indices = @transform_2, window_bounds = array<i64: 64, 128>}, {pipeline_mode = #tpu.pipeline_mode<synchronous>, transform_indices = @transform_3, window_bounds = array<i64: 1, 64>}, {pipeline_mode = #tpu.pipeline_mode<synchronous>, transform_indices = @transform_4, window_bounds = array<i64: 32, 64>}, {pipeline_mode = #tpu.pipeline_mode<synchronous>, transform_indices = @transform_5, window_bounds = array<i64: 1, 32>}, {pipeline_mode = #tpu.pipeline_mode<synchronous>, transform_indices = @transform_6, window_bounds = array<i64: 16, 32>}, {pipeline_mode = #tpu.pipeline_mode<synchronous>, transform_indices = @transform_7, window_bounds = array<i64: 1, 16>}, {pipeline_mode = #tpu.pipeline_mode<synchronous>, transform_indices = @transform_8, window_bounds = array<i64: 1, 80>}, {pipeline_mode = #tpu.pipeline_mode<synchronous>, transform_indices = @transform_9, window_bounds = array<i64: 1, 1>}, {transform_indices = @transform_10, window_bounds = array<i64: 2048, 1>}]} {
    %get3A = arith.constant 0 : index
    %get3A_0 = arith.constant 0 : index
    %get3A_1 = vector.load %arg1[%get3A, %get3A_0] : memref<2048x128xf32, #tpu.memory_space<vmem>>, vector<2048x128xf32>
    %get3A_2 = arith.constant 0 : index
    %get3A_3 = arith.constant 0 : index
    %get3A_4 = vector.load %arg2[%get3A_2, %get3A_3] : memref<2048x128xf32, #tpu.memory_space<vmem>>, vector<2048x128xf32>
    %get3A_5 = arith.constant 0 : index
    %get3A_6 = arith.constant 0 : index
    %get3A_7 = vector.load %arg3[%get3A_5, %get3A_6] : memref<64x128xf32, #tpu.memory_space<vmem>>, vector<64x128xf32>
    %slice3A = vector.extract_strided_slice %get3A_1 {offsets = [0, 64], sizes = [2048, 64], strides = [1, 1]} : vector<2048x128xf32> to vector<2048x64xf32>
    %slice3A_8 = vector.extract_strided_slice %get3A_7 {offsets = [0, 0], sizes = [64, 64], strides = [1, 1]} : vector<64x128xf32> to vector<64x64xf32>
    %dot_general3A = arith.constant dense<0.000000e+00> : vector<2048x64xf32>
    %dot_general3A_9 = tpu.matmul %slice3A, %slice3A_8, %dot_general3A {dimension_numbers = #tpu.dot_dimension_numbers<[1], [1], [0], [0], [0, 0, 1, 0], [], []>, transpose_lhs_hint = false} : vector<2048x64xf32>, vector<64x64xf32>, vector<2048x64xf32> -> vector<2048x64xf32>
    %slice3A_10 = vector.extract_strided_slice %get3A_4 {offsets = [0, 64], sizes = [2048, 64], strides = [1, 1]} : vector<2048x128xf32> to vector<2048x64xf32>
    %slice3A_11 = vector.extract_strided_slice %get3A_7 {offsets = [0, 64], sizes = [64, 64], strides = [1, 1]} : vector<64x128xf32> to vector<64x64xf32>
    %dot_general3A_12 = arith.constant dense<0.000000e+00> : vector<2048x64xf32>
    %dot_general3A_13 = tpu.matmul %slice3A_10, %slice3A_11, %dot_general3A_12 {dimension_numbers = #tpu.dot_dimension_numbers<[1], [1], [0], [0], [0, 0, 1, 0], [], []>, transpose_lhs_hint = false} : vector<2048x64xf32>, vector<64x64xf32>, vector<2048x64xf32> -> vector<2048x64xf32>
    %add3A = arith.addf %dot_general3A_9, %dot_general3A_13 : vector<2048x64xf32>
    %get3A_14 = arith.constant 0 : index
    %get3A_15 = arith.constant 0 : index
    %get3A_16 = vector.load %arg4[%get3A_14, %get3A_15] : memref<1x64xf32, #tpu.memory_space<vmem>>, vector<1x64xf32>
    %add3A_17 = vector.broadcast %get3A_16 : vector<1x64xf32> to vector<2048x64xf32>
    %add3A_18 = arith.addf %add3A, %add3A_17 : vector<2048x64xf32>
    %max3A = arith.constant 0.000000e+00 : f32
    %max3A_19 = vector.broadcast %max3A : f32 to vector<2048x64xf32>
    %max3A_20 = arith.maximumf %add3A_18, %max3A_19 : vector<2048x64xf32>
    %get3A_21 = arith.constant 0 : index
    %get3A_22 = arith.constant 0 : index
    %get3A_23 = vector.load %arg5[%get3A_21, %get3A_22] : memref<32x64xf32, #tpu.memory_space<vmem>>, vector<32x64xf32>
    %dot_general3A_24 = arith.constant dense<0.000000e+00> : vector<2048x32xf32>
    %dot_general3A_25 = tpu.matmul %max3A_20, %get3A_23, %dot_general3A_24 {dimension_numbers = #tpu.dot_dimension_numbers<[1], [1], [0], [0], [0, 0, 1, 0], [], []>, transpose_lhs_hint = false} : vector<2048x64xf32>, vector<32x64xf32>, vector<2048x32xf32> -> vector<2048x32xf32>
    %get3A_26 = arith.constant 0 : index
    %get3A_27 = arith.constant 0 : index
    %get3A_28 = vector.load %arg6[%get3A_26, %get3A_27] : memref<1x32xf32, #tpu.memory_space<vmem>>, vector<1x32xf32>
    %add3A_29 = vector.broadcast %get3A_28 : vector<1x32xf32> to vector<2048x32xf32>
    %add3A_30 = arith.addf %dot_general3A_25, %add3A_29 : vector<2048x32xf32>
    %max3A_31 = arith.constant 0.000000e+00 : f32
    %max3A_32 = vector.broadcast %max3A_31 : f32 to vector<2048x32xf32>
    %max3A_33 = arith.maximumf %add3A_30, %max3A_32 : vector<2048x32xf32>
    %get3A_34 = arith.constant 0 : index
    %get3A_35 = arith.constant 0 : index
    %get3A_36 = vector.load %arg7[%get3A_34, %get3A_35] : memref<16x32xf32, #tpu.memory_space<vmem>>, vector<16x32xf32>
    %dot_general3A_37 = arith.constant dense<0.000000e+00> : vector<2048x16xf32>
    %dot_general3A_38 = tpu.matmul %max3A_33, %get3A_36, %dot_general3A_37 {dimension_numbers = #tpu.dot_dimension_numbers<[1], [1], [0], [0], [0, 0, 1, 0], [], []>, transpose_lhs_hint = false} : vector<2048x32xf32>, vector<16x32xf32>, vector<2048x16xf32> -> vector<2048x16xf32>
    %get3A_39 = arith.constant 0 : index
    %get3A_40 = arith.constant 0 : index
    %get3A_41 = vector.load %arg8[%get3A_39, %get3A_40] : memref<1x16xf32, #tpu.memory_space<vmem>>, vector<1x16xf32>
    %add3A_42 = vector.broadcast %get3A_41 : vector<1x16xf32> to vector<2048x16xf32>
    %add3A_43 = arith.addf %dot_general3A_38, %add3A_42 : vector<2048x16xf32>
    %max3A_44 = arith.constant 0.000000e+00 : f32
    %max3A_45 = vector.broadcast %max3A_44 : f32 to vector<2048x16xf32>
    %max3A_46 = arith.maximumf %add3A_43, %max3A_45 : vector<2048x16xf32>
    %slice3A_47 = vector.extract_strided_slice %get3A_1 {offsets = [0, 0], sizes = [2048, 64], strides = [1, 1]} : vector<2048x128xf32> to vector<2048x64xf32>
    %slice3A_48 = vector.extract_strided_slice %get3A_4 {offsets = [0, 0], sizes = [2048, 64], strides = [1, 1]} : vector<2048x128xf32> to vector<2048x64xf32>
    %mul3A = arith.mulf %slice3A_47, %slice3A_48 : vector<2048x64xf32>
    %get3A_49 = arith.constant 0 : index
    %get3A_50 = arith.constant 0 : index
    %get3A_51 = vector.load %arg9[%get3A_49, %get3A_50] : memref<1x80xf32, #tpu.memory_space<vmem>>, vector<1x80xf32>
    %slice3A_52 = vector.extract_strided_slice %get3A_51 {offsets = [0, 0], sizes = [1, 64], strides = [1, 1]} : vector<1x80xf32> to vector<1x64xf32>
    %dot_general3A_53 = arith.constant dense<0.000000e+00> : vector<2048x1xf32>
    %dot_general3A_54 = tpu.matmul %mul3A, %slice3A_52, %dot_general3A_53 {dimension_numbers = #tpu.dot_dimension_numbers<[1], [1], [0], [0], [0, 0, 1, 0], [], []>, transpose_lhs_hint = false} : vector<2048x64xf32>, vector<1x64xf32>, vector<2048x1xf32> -> vector<2048x1xf32>
    %slice3A_55 = vector.extract_strided_slice %get3A_51 {offsets = [0, 64], sizes = [1, 16], strides = [1, 1]} : vector<1x80xf32> to vector<1x16xf32>
    %dot_general3A_56 = arith.constant dense<0.000000e+00> : vector<2048x1xf32>
    %dot_general3A_57 = tpu.matmul %max3A_46, %slice3A_55, %dot_general3A_56 {dimension_numbers = #tpu.dot_dimension_numbers<[1], [1], [0], [0], [0, 0, 1, 0], [], []>, transpose_lhs_hint = false} : vector<2048x16xf32>, vector<1x16xf32>, vector<2048x1xf32> -> vector<2048x1xf32>
    %add3A_58 = arith.addf %dot_general3A_54, %dot_general3A_57 : vector<2048x1xf32>
    %get3A_59 = arith.constant 0 : index
    %get3A_60 = arith.constant 0 : index
    %get3A_61 = vector.load %arg10[%get3A_59, %get3A_60] : memref<1x1xf32, #tpu.memory_space<vmem>>, vector<1x1xf32>
    %add3A_62 = vector.broadcast %get3A_61 : vector<1x1xf32> to vector<2048x1xf32>
    %add3A_63 = arith.addf %add3A_58, %add3A_62 : vector<2048x1xf32>
    %logistic3A = arith.negf %add3A_63 : vector<2048x1xf32>
    %logistic3A_64 = math.exp %logistic3A : vector<2048x1xf32>
    %logistic3A_65 = arith.constant 1.000000e+00 : f32
    %logistic3A_66 = vector.broadcast %logistic3A_65 : f32 to vector<2048x1xf32>
    %logistic3A_67 = arith.addf %logistic3A_66, %logistic3A_64 : vector<2048x1xf32>
    %logistic3A_68 = arith.divf %logistic3A_66, %logistic3A_67 : vector<2048x1xf32>
    %swap3A = arith.constant 0 : index
    %swap3A_69 = arith.constant 0 : index
    %swap3A_70 = vector.load %arg11[%swap3A, %swap3A_69] : memref<2048x1xf32, #tpu.memory_space<vmem>>, vector<2048x1xf32>
    tpu.vector_store %arg11[%swap3A, %swap3A_69], %logistic3A_68 {strides = array<i32>} : memref<2048x1xf32, #tpu.memory_space<vmem>>, vector<2048x1xf32>,
    return
  }
  func.func @transform_0(%arg0: i32) -> (i32, i32) {
    %c0_i32 = arith.constant 0 : i32
    %c0_i32_0 = arith.constant 0 : i32
    return %arg0, %c0_i32 : i32, i32
  }
  func.func @transform_1(%arg0: i32) -> (i32, i32) {
    %c0_i32 = arith.constant 0 : i32
    %c0_i32_0 = arith.constant 0 : i32
    return %arg0, %c0_i32 : i32, i32
  }
  func.func @transform_2(%arg0: i32) -> (i32, i32) {
    %c0_i32 = arith.constant 0 : i32
    %c0_i32_0 = arith.constant 0 : i32
    %c0_i32_1 = arith.constant 0 : i32
    return %c0_i32, %c0_i32_0 : i32, i32
  }
  func.func @transform_3(%arg0: i32) -> (i32, i32) {
    %c0_i32 = arith.constant 0 : i32
    %c0_i32_0 = arith.constant 0 : i32
    %c0_i32_1 = arith.constant 0 : i32
    return %c0_i32, %c0_i32_0 : i32, i32
  }
  func.func @transform_4(%arg0: i32) -> (i32, i32) {
    %c0_i32 = arith.constant 0 : i32
    %c0_i32_0 = arith.constant 0 : i32
    %c0_i32_1 = arith.constant 0 : i32
    return %c0_i32, %c0_i32_0 : i32, i32
  }
  func.func @transform_5(%arg0: i32) -> (i32, i32) {
    %c0_i32 = arith.constant 0 : i32
    %c0_i32_0 = arith.constant 0 : i32
    %c0_i32_1 = arith.constant 0 : i32
    return %c0_i32, %c0_i32_0 : i32, i32
  }
  func.func @transform_6(%arg0: i32) -> (i32, i32) {
    %c0_i32 = arith.constant 0 : i32
    %c0_i32_0 = arith.constant 0 : i32
    %c0_i32_1 = arith.constant 0 : i32
    return %c0_i32, %c0_i32_0 : i32, i32
  }
  func.func @transform_7(%arg0: i32) -> (i32, i32) {
    %c0_i32 = arith.constant 0 : i32
    %c0_i32_0 = arith.constant 0 : i32
    %c0_i32_1 = arith.constant 0 : i32
    return %c0_i32, %c0_i32_0 : i32, i32
  }
  func.func @transform_8(%arg0: i32) -> (i32, i32) {
    %c0_i32 = arith.constant 0 : i32
    %c0_i32_0 = arith.constant 0 : i32
    %c0_i32_1 = arith.constant 0 : i32
    return %c0_i32, %c0_i32_0 : i32, i32
  }
  func.func @transform_9(%arg0: i32) -> (i32, i32) {
    %c0_i32 = arith.constant 0 : i32
    %c0_i32_0 = arith.constant 0 : i32
    %c0_i32_1 = arith.constant 0 : i32
    return %c0_i32, %c0_i32_0 : i32, i32
  }
  func.func @transform_10(%arg0: i32) -> (i32, i32) {
    %c0_i32 = arith.constant 0 : i32
    %c0_i32_0 = arith.constant 0 : i32
    return %arg0, %c0_i32 : i32, i32
  }
}

</mosaic_0001>

<sc_bundles>
// kernel: kernel.5.cloned.1.call-start
scs
__scs_entry_jumppad:
0x0: {  	(pc) =	sbr.rel $0x88, $3  }
0x1: {  	(tag) =	ssettag $0x0;
	lr =	simm.s32 $0x1  }
0x2: {  	[smem:$0x3F93] =	sst lr;
	_ =	strace $0xD0000000  }
0x3: {  	_ = 	snop  }
0x4: {  	_ = 	snop  }
0x5: {  	_ = 	snop  }
0x6: {  	_ = 	snop  }
0x7: {  	_ = 	snop  }
__scs_overlays_trampoline_lowered:
0x8: {  	[smem:$0x3FA2] =	sst s0  }
0x9: {  	[smem:$0x3FA3] =	sst s1  }
0xa: {  	[smem:$0x3FA4] =	sst s2  }
0xb: {  	[smem:$0x3FA5] =	sst s3  }
0xc: {  	[smem:$0x3FA6] =	sst s4  }
0xd: {  	[smem:$0x3FA7] =	sst s5  }
0xe: {  	[smem:$0x3FA8] =	sst s6  }
0xf: {  	[smem:$0x3FA9] =	sst s7  }
0x10: {  	[smem:$0x3FAA] =	sst s8  }
0x11: {  	[smem:$0x3FAB] =	sst s9;
	s0 =	simm.s32 @!p0 $0x0  }
0x12: {  	s1 =	sld [smem:$0x3F91];
	s0 =	simm.s32 @p0 $0x1  }
0x13: {  	[smem:$0x3FAC] =	sst s0;
	s0 =	simm.s32 @!p1 $0x0  }
0x14: {  	s2 =	sld [smem:$0x3F90];
	s0 =	simm.s32 @p1 $0x1  }
0x15: {  	[smem:$0x3FAD] =	sst s0;
	s0 =	simm.s32 @!p2 $0x0  }
0x16: {  	s3 =	sld [smem:$0x3FDB];
	s0 =	simm.s32 @p2 $0x1  }
0x17: {  	s4 =	simm.s32 $0x1BF5;
	[smem:$0x3FAF] =	sst s0  }
0x18: {  	s0 =	sld [smem:$0x3F92];
	_ =	swait.ge [sflag:s4], $0x0  }
0x19: {  	s7 =	sld [smem:$0x3F93]  }
0x1a: {  	s8 =	sadd.s32 $0xFFFFE003, lr  }
0x1b: {  	s9 =	sadd.s32 $0xFFFFFEF7, lr;
	s5 =	simm.s32 $0xFFFFFFFF;
	p2 =	slt.u32 s8, $0xFFFFF086  }
0x1c: {  	p1 =	slt.u32 s9, $0xF7A;
	s5 =	simm.s32 @!p2 $0x0  }
0x1d: {  	s5 =	simm.s32 @p1 $0x1;
	p0 =	seq.s32 s7, s2  }
0x1e: {  	s7 =	smul.u32 @!p0 $0xF7A, s2;
	p2 =	seq.s32 @!p0 s5, $0x0  }
0x1f: {  	s9 =	smul.u32 $0xF7A, s1;
	s8 =	simm.s32 @!p0 $0x1BF5;
	p2 =	por !p2, p0  }
0x20: {  	[sflag:s8] =	ssyncset.s32 @!p0 $0xFFFFF086;
	s6 =	sadd.s32 @!p0 s3, s7;
	s7 =	simm.s32 @!p0 $0x108  }
0x21: {  	s3 =	sadd.s32 s3, s9;
	s6 =	sadd.s32 @!p0 $0x88, s6;
	s7 =	simm.s32 @p2 $0x1082  }
0x22: {  	[simem:s7], [sflag:s8] =	dma.local @!p0 [hbm:s6], $0xF7A  }
0x23: {  	s9 =	sor.u32 $0xD0000000, s2;
	s6 =	simm.s32 $0x108;
	_ =	swait.ge @!p0 [sflag:s8], $0x0  }
0x24: {  	s3 =	sadd.s32 $0x88, s3;
	s6 =	simm.s32 @!p1 $0x1082;
	[sflag:s4] =	ssyncset.s32 $0xFFFFF086  }
0x25: {  	[simem:s6], [sflag:s4] =	dma.local [hbm:s3], $0xF7A  }
0x26: {  	[smem:$0x3F93] =	sst s1;
	(tag) =	ssettag s2;
	_ =	strace s9  }
0x27: {  	s1 =	sld [smem:$0x3FA3]  }
0x28: {  	s2 =	sld [smem:$0x3FA4]  }
0x29: {  	s4 =	sld [smem:$0x3FA6]  }
0x2a: {  	p0 =	seq.s32 s5, $0x0;
	s5 =	sld [smem:$0x3FA7]  }
0x2b: {  	s6 =	sld [smem:$0x3FA8]  }
0x2c: {  	s7 =	sld [smem:$0x3FA9]  }
0x2d: {  	s3 =	simm.s32 $0x108;
	s8 =	sld [smem:$0x3FAA]  }
0x2e: {  	s3 =	simm.s32 @!p0 $0x1082;
	s9 =	sld [smem:$0x3FAB]  }
0x2f: {  	lr =	sadd.s32 s0, s3;
	s0 =	sld [smem:$0x3FA2]  }
0x30: {  	s3 =	sld [smem:$0x3FA5]  }
0x31: {  	[smem:$0x3FAE] =	sst s10  }
0x32: {  	s10 =	sld [smem:$0x3FAC];
	_ =	sdelay $0x3  }
0x33: {  	p0 =	seq.s32 s10, $0x1;
	s10 =	sld [smem:$0x3FAE];
	_ =	sdelay $0x3  }
0x34: {  	[smem:$0x3FAE] =	sst s10  }
0x35: {  	s10 =	sld [smem:$0x3FAD];
	_ =	sdelay $0x3  }
0x36: {  	p1 =	seq.s32 s10, $0x1;
	s10 =	sld [smem:$0x3FAE];
	_ =	sdelay $0x3  }
0x37: {  	[smem:$0x3FAE] =	sst s10  }
0x38: {  	s10 =	sld [smem:$0x3FAF]  }
0x39: {  	_ = 	snop;
	(pc) =	sbr.ind lr, $3  }
0x3a: {  	_ = 	snop  }
0x3b: {  	_ = 	snop  }
0x3c: {  	p2 =	seq.s32 s10, $0x1;
	s10 =	sld [smem:$0x3FAE]  }
0x3d: {  	_ =	shalt  }
0x3e: {  	_ =	shalt  }
0x3f: {  	_ =	shalt  }
0x40: {  	_ =	shalt  }
0x41: {  	_ =	shalt  }
0x42: {  	_ =	shalt  }
0x43: {  	_ =	shalt  }
0x44: {  	_ =	shalt  }
0x45: {  	_ =	shalt  }
0x46: {  	_ =	shalt  }
0x47: {  	_ =	shalt  }
0x48: {  	_ =	shalt  }
0x49: {  	_ =	shalt  }
0x4a: {  	_ =	shalt  }
0x4b: {  	_ =	shalt  }
0x4c: {  	_ =	shalt  }
0x4d: {  	_ =	shalt  }
0x4e: {  	_ =	shalt  }
0x4f: {  	_ =	shalt  }
0x50: {  	_ =	shalt  }
0x51: {  	_ =	shalt  }
0x52: {  	_ =	shalt  }
0x53: {  	_ =	shalt  }
0x54: {  	_ =	shalt  }
0x55: {  	_ =	shalt  }
0x56: {  	_ =	shalt  }
0x57: {  	_ =	shalt  }
0x58: {  	_ =	shalt  }
0x59: {  	_ =	shalt  }
0x5a: {  	_ =	shalt  }
0x5b: {  	_ =	shalt  }
0x5c: {  	_ =	shalt  }
0x5d: {  	_ =	shalt  }
0x5e: {  	_ =	shalt  }
0x5f: {  	_ =	shalt  }
0x60: {  	_ =	shalt  }
0x61: {  	_ =	shalt  }
0x62: {  	_ =	shalt  }
0x63: {  	_ =	shalt  }
0x64: {  	_ =	shalt  }
0x65: {  	_ =	shalt  }
0x66: {  	_ =	shalt  }
0x67: {  	_ =	shalt  }
0x68: {  	_ =	shalt  }
0x69: {  	_ =	shalt  }
0x6a: {  	_ =	shalt  }
0x6b: {  	_ =	shalt  }
0x6c: {  	_ =	shalt  }
0x6d: {  	_ =	shalt  }
0x6e: {  	_ =	shalt  }
0x6f: {  	_ =	shalt  }
0x70: {  	_ =	shalt  }
0x71: {  	_ =	shalt  }
0x72: {  	_ =	shalt  }
0x73: {  	_ =	shalt  }
0x74: {  	_ =	shalt  }
0x75: {  	_ =	shalt  }
0x76: {  	_ =	shalt  }
0x77: {  	_ =	shalt  }
0x78: {  	_ =	shalt  }
0x79: {  	_ =	shalt  }
0x7a: {  	_ =	shalt  }
0x7b: {  	_ =	shalt  }
0x7c: {  	_ =	shalt  }
0x7d: {  	_ =	shalt  }
0x7e: {  	_ =	shalt  }
0x7f: {  	_ =	shalt  }
0x80: {  	_ =	shalt  }
0x81: {  	_ =	shalt  }
0x82: {  	_ =	shalt  }
0x83: {  	_ =	shalt  }
0x84: {  	_ =	shalt  }
0x85: {  	_ =	shalt  }
0x86: {  	_ =	shalt  }
0x87: {  	_ =	shalt  }
.Lfunc_end0:
.L_simem_size_0:
called_computation_lowered:
.L_overlay_start_0:
0x88: {  	s2 =	sld [smem:$0x3FD9]  }
0x89: {  	s3 =	sld [smem:$0x3FFE];
	_ =	sdelay $0x1  }
0x8a: {  	s1 =	srdreg.scid  }
0x8b: {  	s0 =	sand.u32 $0x1, s1  }
0x8c: {  	s17 =	sshll.u32 s0, $0xA;
	s2 =	sadd.s32 s3, s2  }
0x8d: {  	s2 =	sadd.s32 s2, s17  }
0x8e: {  	[smem:$0x3FBA] =	sst s2  }
0x8f: {  	_ = 	snop  }
0x90: {  	s18 =	sld [smem:$0x3FC9];
	(tm) =	ssettm $0x1  }
0x91: {  	s19 =	sld [smem:$0x3FFB];
	_ =	sdelay $0x3  }
0x92: {  	_ =	strace s19  }
0x93: {  	s2 =	sld [smem:$0x3FFC];
	_ =	sdelay $0x3  }
0x94: {  	_ =	strace s2  }
0x95: {  	s2 =	sld [smem:$0x3FFD];
	_ =	sdelay $0x3  }
0x96: {  	_ =	strace s2  }
0x97: {  	_ =	strace $0x8FFFFFFF  }
0x98: {  	s20 =	sld [smem:$0x3FDB];
	_ =	sdelay $0x1  }
0x99: {  	s4 =	simm.s32 $_scs_section_size  }
0x9a: {  	s5 =	simm.s32 $_size__tile_overlayer_lowered;
	s6 =	simm.s32 $_tile_overlayer_lowered  }
0x9b: {  	s7 =	simm.s32 $0x1BFF;
	s21 =	sshll.u32 s6, $0x1;
	s4 =	sadd.s32 s4, s20  }
0x9c: {  	s22 =	simm.s32 $0x0;
	s5 =	sshll.u32 s5, $0x1;
	s6 =	sadd.s32 s21, s4  }
0x9d: {  	[timem:s22], [sflag:s7] =	dma.local [hbm:s6], s5  }
0x9e: {  	_ =	swait.ge [sflag:s7], s5  }
0x9f: {  	s5 =	ssub.s32 $0x0, s5;
	[sflag:s7] =	ssyncset.done $0x0  }
0xa0: {  	[sflag:s7] =	ssyncadd.s32 s5;
	_ =	sdelay $0x1  }
0xa1: {  	s23 =	simm.s32 $0x1B8B  }
0xa2: {  	_ =	swait.ge [sflag:s23], $0x1  }
0xa3: {  	[sflag:s23] =	ssyncset.done $0x0  }
0xa4: {  	[sflag:s23] =	ssyncadd.s32 $0xFFFFFFFF  }
0xa5: {  	s5 =	sld [smem:$0x0]  }
0xa6: {  	s6 =	sand.u32 $0xFFFFFFFE, s1  }
0xa7: {  	p0 =	sne.s32 s1, s6  }
0xa8: {  	s6 =	sshll.u32 @p0 s6, $0xE  }
0xa9: {  	s6 =	sadd.s32 @p0 $0x11B8D, s6;
	s7 =	sshll.u32 @p0 s5, $0x11  }
0xaa: {  	s6 =	sor.u32 @p0 s7, s6  }
0xab: {  	[sflag:s6] =	ssyncadd.remote.s32 @p0 $0x1;
	_ =	sdelay $0x1  }
0xac: {  	s6 =	simm.s32 @p0 $0x1B8D  }
0xad: {  	_ =	swait.eq @p0 [sflag:s6], $0x1  }
0xae: {  	[sflag:s6] =	ssyncadd.s32 @p0 $0xFFFFFFFF  }
0xaf: {  	s7 =	sshll.u32 @!p0 s1, $0xE  }
0xb0: {  	s7 =	sor.u32 @!p0 $0x4000, s7;
	s6 =	simm.s32 @!p0 $0x1B8D  }
0xb1: {  	s5 =	sshll.u32 @!p0 s5, $0x11;
	s7 =	sadd.s32 @!p0 $0x11B8D, s7;
	_ =	swait.eq @!p0 [sflag:s6], $0x1  }
0xb2: {  	s5 =	sor.u32 @!p0 s5, s7;
	[sflag:s6] =	ssyncadd.s32 @!p0 $0xFFFFFFFF  }
0xb3: {  	s25 =	simm.s32 $0x1B8E;
	s24 =	sld [smem:$0x3FFE];
	[sflag:s5] =	ssyncadd.remote.s32 @!p0 $0x1  }
0xb4: {  	s26 =	simm.s32 $execute0_lowered;
	[smem:$0x3FD2] =	sst s25  }
0xb5: {  	s6 =	sshll.u32 s26, $0x1;
	_ =	strace $0x80000049;
	[dreg:$0x1] =	wrdreg $0xFFFFFFFF  }
0xb6: {  	s28 =	simm.s32 $_size_execute0_lowered;
	s4 =	sadd.s32 s4, s6;
	[dreg:$0x0] =	wrdreg $0x0  }
0xb7: {  	s6 =	sshll.u32 s28, $0x1;
	[dreg:$0x2] =	wrdreg s4  }
0xb8: {  	[dreg:$0x3] =	wrdreg s6  }
0xb9: {  	[dreg:$0x4] =	wrdreg $0xC0  }
0xba: {  	_ =	task [dreg:s22], $0x5FFFF  }
0xbb: {  	[dreg:$0x1] =	wrdreg $0xFFFFFFFF  }
0xbc: {  	[dreg:$0x0] =	wrdreg $0x60  }
0xbd: {  	[dreg:$0x2] =	wrdreg s18  }
0xbe: {  	[dreg:$0x3] =	wrdreg s24  }
0xbf: {  	[dreg:$0x4] =	wrdreg $0x9  }
0xc0: {  	_ =	task.clear_ibuf [dreg:s22], $0x5FFFF;
	_ =	strace $0x90000049  }
0xc1: {  	s29 =	simm.s32 $0x9;
	_ =	strace $0x8000004B  }
0xc2: {  	_ =	swait.ge [sflag:s29], $0x1  }
0xc3: {  	[sflag:s29] =	ssyncadd.s32 $0xFFFFFFFF  }
0xc4: {  	_ =	strace $0x9000004B  }
0xc5: {  	_ =	sfence  }
0xc6: {  	s30 =	sld [smem:$0x0];
	_ =	sdelay $0x2  }
0xc7: {  	s31 =	sshll.u32 s1, $0xD;
	s1 =	sshrl.u32 s1, $0x2  }
0xc8: {  	s4 =	sand.u32 $0x4000, s31;
	s1 =	sadd.s32 s1, s30  }
0xc9: {  	s0 =	sor.u32 s4, s0;
	s1 =	sshll.u32 s1, $0x11  }
0xca: {  	s0 =	sor.u32 s1, s0  }
0xcb: {  	s0 =	sadd.s32 $0x8F2B, s0  }
0xcc: {  	[sflag:s0] =	ssyncadd.remote.s32 $0x1  }
0xcd: {  	_ =	sfence.sel $0xFFFF  }
0xce: {  	[dreg:$0x0] =	wrdreg $0xFFFFFFFF;
	(pc) =	sbr.abs _section_cstart, $3  }
0xcf: {  	[dreg:$0x1] =	wrdreg $0xFFFFFFFF  }
0xd0: {  	_ =	task.clear_ibuf [dreg:s22], $0x2FFFF;
	_ =	strace $0x9FFFFFFF  }
0xd1: {  	(tm) =	ssettm $0x7FFFFFFF  }
tec
execute0_lowered:
.L_overlay_start_1:
0x0: {  	(tag) =	ssettag $0x1  }
0x1: {  	s4 =	rddreg [dreg:$0x0]  }
0x2: {  	s5 =	rddreg [dreg:$0x1]  }
0x3: {  	s0 =	rddreg [dreg:$0x2]  }
0x4: {  	s3 =	srdreg.scid;
	s2 =	simm.s32 $0x0;
	s1 =	stileid.u32  }
0x5: {  	s9 =	simm.s32 $0x200;
	s10 =	simm.s32 $0x2;
	s11 =	simm.s32 $0x0  }
0x6: {  	s6 =	sand.u32 $0x1, s3;
	[smem:$0x7FF] =	sst s2;
	s30 =	sshll.u32 s1, $0xA  }
0x7: {  	s3 =	sadd.s32 $0x3D0A800, s5;
	s7 =	sshll.u32 s6, $0x9;
	s6 =	ssub.s32 $0x2, s6  }
0x8: {  	_ =	strace $0x8000004A;
	s7 =	sor.u32 s7, s30;
	s31 =	sshrl.u32 s6, $0x1  }
0x9: {  	s8 =	sshll.u32 s7, $0x4;
	s7 =	sshrl.u32 s7, $0x3;
	s6 =	ssub.s32 s6, s31  }
0xa: {  	s5 =	sadd.s32 s8, s5;
	s4 =	sadd.s32 s4, s7;
	s6 =	smax.u32 s6, $0x1  }
0xb: {  	vm0 =	vmmov $0xffff;
	s7 =	simm.s32 $0x3;
	s8 =	simm.s32 $0x1;
	s5 =	sadd.s32 $0x2DC8400, s5  }
.LBB2_1:
0xc: {  	[tilespmem:s2], [sflag:$0x3] =	stream.linear.gather [hbm4b:s4+s2], $0x200, $0x38;
	[tilespmem:$0x10200] =	vst v63  }
0xd: {  	_ =	swait.ge [sflag:s7], $0x200  }
0xe: {  	[sflag:s7] =	ssyncset.done $0x0  }
0xf: {  	s12 =	simm.s32 $0x0;
	[sflag:s7] =	ssyncadd.s32 $0xFFFFFE00  }
0x10: {  	v0 =	vld [tilespmem:s12+$0x0];
	_ =	sdelay $0x6  }
0x11: {  	s31 =	simm.s32 $0x10  }
0x12: {  	[tilespmem:s9], [sflag:$0x1] =	stream.indirect_vreg.gather [hbm4b:s3+s2], $0x80, v0, vm0, $0xb8;
	[tilespmem:$0x10200] =	vst v63  }
0x13: {  	s13 =	simm.s32 $0x80;
	s12 =	simm.s32 $0x200;
	v0 =	vld [tilespmem:s31+$0x0]  }
.LBB2_2:
0x14: {  	p0 =	sne.s32 s13, $0x7C0;
	_ =	sdelay $0x3  }
.Ltmp0:
0x15: {  	(pc) =	sbr.rel @p0 .LBB2_2-.Ltmp0, $4  }
0x16: {  	_ = 	snop  }
0x17: {  	s14 =	sshra.s32 s13, $0x2;
	s12 =	sadd.s32 $0x800, s12  }
0x18: {  	[tilespmem:s12], [sflag:$0x1] =	stream.indirect_vreg.gather [hbm4b:s3+s2], $0x80, v0, vm0, $0xb8;
	[tilespmem:$0x10200] =	vst v63  }
0x19: {  	s13 =	sadd.s32 $0x40, s13;
	v0 =	vld [tilespmem:s14+$0x0]  }
0x1a: {  	_ =	sdelay $0x6  }
0x1b: {  	s12 =	sadd.s32 $0x800, s12  }
0x1c: {  	[tilespmem:s12], [sflag:$0x1] =	stream.indirect_vreg.gather [hbm4b:s3+s2], $0x80, v0, vm0, $0xb8;
	[tilespmem:$0x10200] =	vst v63  }
0x1d: {  	_ =	swait.ge [sflag:s8], $0x800  }
0x1e: {  	[sflag:s8] =	ssyncset.done $0x0  }
0x1f: {  	[sflag:s8] =	ssyncadd.s32 $0xFFFFF800  }
0x20: {  	_ =	swait.ge [sflag:s8], $0x800  }
0x21: {  	[sflag:s8] =	ssyncset.done $0x0  }
0x22: {  	[sflag:s8] =	ssyncadd.s32 $0xFFFFF800  }
0x23: {  	_ =	swait.ge [sflag:s8], $0x800  }
0x24: {  	[sflag:s8] =	ssyncset.done $0x0  }
0x25: {  	[sflag:s8] =	ssyncadd.s32 $0xFFFFF800  }
0x26: {  	_ =	swait.ge [sflag:s8], $0x800  }
0x27: {  	[sflag:s8] =	ssyncset.done $0x0  }
0x28: {  	[sflag:s8] =	ssyncadd.s32 $0xFFFFF800  }
0x29: {  	_ =	swait.ge [sflag:s8], $0x800  }
0x2a: {  	[sflag:s8] =	ssyncset.done $0x0  }
0x2b: {  	[sflag:s8] =	ssyncadd.s32 $0xFFFFF800  }
0x2c: {  	_ =	swait.ge [sflag:s8], $0x800  }
0x2d: {  	[sflag:s8] =	ssyncset.done $0x0  }
0x2e: {  	[sflag:s8] =	ssyncadd.s32 $0xFFFFF800  }
0x2f: {  	_ =	swait.ge [sflag:s8], $0x800  }
0x30: {  	[sflag:s8] =	ssyncset.done $0x0  }
0x31: {  	[sflag:s8] =	ssyncadd.s32 $0xFFFFF800  }
0x32: {  	_ =	swait.ge [sflag:s8], $0x800  }
0x33: {  	[sflag:s8] =	ssyncset.done $0x0  }
0x34: {  	[sflag:s8] =	ssyncadd.s32 $0xFFFFF800  }
0x35: {  	_ =	swait.ge [sflag:s8], $0x800  }
0x36: {  	[sflag:s8] =	ssyncset.done $0x0  }
0x37: {  	[sflag:s8] =	ssyncadd.s32 $0xFFFFF800  }
0x38: {  	_ =	swait.ge [sflag:s8], $0x800  }
0x39: {  	[sflag:s8] =	ssyncset.done $0x0  }
0x3a: {  	[sflag:s8] =	ssyncadd.s32 $0xFFFFF800  }
0x3b: {  	_ =	swait.ge [sflag:s8], $0x800  }
0x3c: {  	[sflag:s8] =	ssyncset.done $0x0  }
0x3d: {  	[sflag:s8] =	ssyncadd.s32 $0xFFFFF800  }
0x3e: {  	_ =	swait.ge [sflag:s8], $0x800  }
0x3f: {  	[sflag:s8] =	ssyncset.done $0x0  }
0x40: {  	[sflag:s8] =	ssyncadd.s32 $0xFFFFF800  }
0x41: {  	_ =	swait.ge [sflag:s8], $0x800  }
0x42: {  	[sflag:s8] =	ssyncset.done $0x0  }
0x43: {  	[sflag:s8] =	ssyncadd.s32 $0xFFFFF800  }
0x44: {  	_ =	swait.ge [sflag:s8], $0x800  }
0x45: {  	[sflag:s8] =	ssyncset.done $0x0  }
0x46: {  	[sflag:s8] =	ssyncadd.s32 $0xFFFFF800  }
0x47: {  	_ =	swait.ge [sflag:s8], $0x800  }
0x48: {  	[sflag:s8] =	ssyncset.done $0x0  }
0x49: {  	[sflag:s8] =	ssyncadd.s32 $0xFFFFF800  }
0x4a: {  	_ =	swait.ge [sflag:s8], $0x800  }
0x4b: {  	[sflag:s8] =	ssyncset.done $0x0  }
0x4c: {  	[sflag:s8] =	ssyncadd.s32 $0xFFFFF800  }
0x4d: {  	_ =	swait.ge [sflag:s8], $0x800  }
0x4e: {  	[sflag:s8] =	ssyncset.done $0x0  }
0x4f: {  	[sflag:s8] =	ssyncadd.s32 $0xFFFFF800  }
0x50: {  	_ =	swait.ge [sflag:s8], $0x800  }
0x51: {  	[sflag:s8] =	ssyncset.done $0x0  }
0x52: {  	[sflag:s8] =	ssyncadd.s32 $0xFFFFF800  }
0x53: {  	_ =	swait.ge [sflag:s8], $0x800  }
0x54: {  	[sflag:s8] =	ssyncset.done $0x0  }
0x55: {  	[sflag:s8] =	ssyncadd.s32 $0xFFFFF800  }
0x56: {  	_ =	swait.ge [sflag:s8], $0x800  }
0x57: {  	[sflag:s8] =	ssyncset.done $0x0  }
0x58: {  	[sflag:s8] =	ssyncadd.s32 $0xFFFFF800  }
0x59: {  	_ =	swait.ge [sflag:s8], $0x800  }
0x5a: {  	[sflag:s8] =	ssyncset.done $0x0  }
0x5b: {  	[sflag:s8] =	ssyncadd.s32 $0xFFFFF800  }
0x5c: {  	_ =	swait.ge [sflag:s8], $0x800  }
0x5d: {  	[sflag:s8] =	ssyncset.done $0x0  }
0x5e: {  	[sflag:s8] =	ssyncadd.s32 $0xFFFFF800  }
0x5f: {  	_ =	swait.ge [sflag:s8], $0x800  }
0x60: {  	[sflag:s8] =	ssyncset.done $0x0  }
0x61: {  	[sflag:s8] =	ssyncadd.s32 $0xFFFFF800  }
0x62: {  	_ =	swait.ge [sflag:s8], $0x800  }
0x63: {  	[sflag:s8] =	ssyncset.done $0x0  }
0x64: {  	[sflag:s8] =	ssyncadd.s32 $0xFFFFF800  }
0x65: {  	_ =	swait.ge [sflag:s8], $0x800  }
0x66: {  	[sflag:s8] =	ssyncset.done $0x0  }
0x67: {  	[sflag:s8] =	ssyncadd.s32 $0xFFFFF800  }
0x68: {  	_ =	swait.ge [sflag:s8], $0x800  }
0x69: {  	[sflag:s8] =	ssyncset.done $0x0  }
0x6a: {  	[sflag:s8] =	ssyncadd.s32 $0xFFFFF800  }
0x6b: {  	_ =	swait.ge [sflag:s8], $0x800  }
0x6c: {  	[sflag:s8] =	ssyncset.done $0x0  }
0x6d: {  	[sflag:s8] =	ssyncadd.s32 $0xFFFFF800  }
0x6e: {  	_ =	swait.ge [sflag:s8], $0x800  }
0x6f: {  	[sflag:s8] =	ssyncset.done $0x0  }
0x70: {  	[sflag:s8] =	ssyncadd.s32 $0xFFFFF800  }
0x71: {  	_ =	swait.ge [sflag:s8], $0x800  }
0x72: {  	[sflag:s8] =	ssyncset.done $0x0  }
0x73: {  	[sflag:s8] =	ssyncadd.s32 $0xFFFFF800  }
0x74: {  	_ =	swait.ge [sflag:s8], $0x800  }
0x75: {  	[sflag:s8] =	ssyncset.done $0x0  }
0x76: {  	[sflag:s8] =	ssyncadd.s32 $0xFFFFF800  }
0x77: {  	_ =	swait.ge [sflag:s8], $0x800  }
0x78: {  	[sflag:s8] =	ssyncset.done $0x0  }
0x79: {  	[sflag:s8] =	ssyncadd.s32 $0xFFFFF800  }
0x7a: {  	s11 =	sadd.s32 $0x1, s11;
	_ =	swait.ge [sflag:s8], $0x800  }
0x7b: {  	p0 =	sne.s32 s11, s6;
	[sflag:s8] =	ssyncset.done $0x0  }
.Ltmp1:
0x7c: {  	[sflag:s8] =	ssyncadd.s32 $0xFFFFF800;
	(pc) =	sbr.rel @p0 .LBB2_1-.Ltmp1, $4  }
0x7d: {  	[hbm4b:s5+s2] =	stream.linear.scatter [tilespmem:s9], [sflag:$0x2], $0x10000, $0x38;
	[tilespmem:$0x10200] =	vst v63  }
0x7e: {  	_ =	swait.ge [sflag:s10], $0x10000  }
0x7f: {  	[sflag:s10] =	ssyncset.done $0x0  }
0x80: {  	[sflag:s10] =	ssyncadd.s32 $0xFFFF0000  }
0x81: {  	_ =	sfence.sel $0x180000  }
0x82: {  	[bflag:$0x0] =	sbarrier.arrive $0xFFFF  }
0x83: {  	p0 =	sne.s32 s1, $0x0;
	_ =	strace $0x9000004A  }
0x84: {  	s0 =	sadd.s32 @!p0 $0x100000, s0;
	[bflag:$0x2] =	sbarrier.arrive $0xFFFF  }
0x85: {  	[sflag:s0] =	ssyncadd.tile.s32 @!p0 $0x1;
	_ =	shalt  }
.Lfunc_end2:
_tile_overlayer_lowered:
.L_overlay_start_2:
0x86: {  	(tag) =	ssettag $0x2  }
0x87: {  	s0 =	rddreg [dreg:$0x0];
	s2 =	stileid.u32  }
0x88: {  	s1 =	rddreg [dreg:$0x1];
	p0 =	sne.s32 s2, $0x0  }
0x89: {  	s3 =	rddreg [dreg:$0x2];
	[bflag:$0x3] =	sbarrier.arrive $0xFFFF;
	s2 =	simm.s32 @!p0 $0x1C03  }
0x8a: {  	[timem:s3], [sflag:s2] =	dma.local @!p0 [hbm:s0], s1  }
0x8b: {  	s0 =	simm.s32 @!p0 $0x3  }
0x8c: {  	_ =	swait.ge @!p0 [sflag:s0], s1  }
0x8d: {  	s1 =	ssub.s32 @!p0 $0x0, s1;
	[sflag:s0] =	ssyncset.done @!p0 $0x0  }
0x8e: {  	[sflag:s0] =	ssyncadd.s32 @!p0 s1  }
0x8f: {  	[bflag:$0x3] =	sbarrier.arrive $0xFFFF  }
0x90: {  	_ =	shalt  }

// kernel: kernel.8.cloned.1.call-start
scs
__scs_entry_jumppad:
0x0: {  	(pc) =	sbr.rel $0x88, $3  }
0x1: {  	(tag) =	ssettag $0x0;
	lr =	simm.s32 $0x1  }
0x2: {  	[smem:$0x3F93] =	sst lr;
	_ =	strace $0xD0000000  }
0x3: {  	_ = 	snop  }
0x4: {  	_ = 	snop  }
0x5: {  	_ = 	snop  }
0x6: {  	_ = 	snop  }
0x7: {  	_ = 	snop  }
__scs_overlays_trampoline_lowered:
0x8: {  	[smem:$0x3FA2] =	sst s0  }
0x9: {  	[smem:$0x3FA3] =	sst s1  }
0xa: {  	[smem:$0x3FA4] =	sst s2  }
0xb: {  	[smem:$0x3FA5] =	sst s3  }
0xc: {  	[smem:$0x3FA6] =	sst s4  }
0xd: {  	[smem:$0x3FA7] =	sst s5  }
0xe: {  	[smem:$0x3FA8] =	sst s6  }
0xf: {  	[smem:$0x3FA9] =	sst s7  }
0x10: {  	[smem:$0x3FAA] =	sst s8  }
0x11: {  	[smem:$0x3FAB] =	sst s9;
	s0 =	simm.s32 @!p0 $0x0  }
0x12: {  	s1 =	sld [smem:$0x3F91];
	s0 =	simm.s32 @p0 $0x1  }
0x13: {  	[smem:$0x3FAC] =	sst s0;
	s0 =	simm.s32 @!p1 $0x0  }
0x14: {  	s2 =	sld [smem:$0x3F90];
	s0 =	simm.s32 @p1 $0x1  }
0x15: {  	[smem:$0x3FAD] =	sst s0;
	s0 =	simm.s32 @!p2 $0x0  }
0x16: {  	s3 =	sld [smem:$0x3FDB];
	s0 =	simm.s32 @p2 $0x1  }
0x17: {  	s4 =	simm.s32 $0x1BF5;
	[smem:$0x3FAF] =	sst s0  }
0x18: {  	s0 =	sld [smem:$0x3F92];
	_ =	swait.ge [sflag:s4], $0x0  }
0x19: {  	s7 =	sld [smem:$0x3F93]  }
0x1a: {  	s8 =	sadd.s32 $0xFFFFE003, lr  }
0x1b: {  	s9 =	sadd.s32 $0xFFFFFEF7, lr;
	s5 =	simm.s32 $0xFFFFFFFF;
	p2 =	slt.u32 s8, $0xFFFFF086  }
0x1c: {  	p1 =	slt.u32 s9, $0xF7A;
	s5 =	simm.s32 @!p2 $0x0  }
0x1d: {  	s5 =	simm.s32 @p1 $0x1;
	p0 =	seq.s32 s7, s2  }
0x1e: {  	s7 =	smul.u32 @!p0 $0xF7A, s2;
	p2 =	seq.s32 @!p0 s5, $0x0  }
0x1f: {  	s9 =	smul.u32 $0xF7A, s1;
	s8 =	simm.s32 @!p0 $0x1BF5;
	p2 =	por !p2, p0  }
0x20: {  	[sflag:s8] =	ssyncset.s32 @!p0 $0xFFFFF086;
	s6 =	sadd.s32 @!p0 s3, s7;
	s7 =	simm.s32 @!p0 $0x108  }
0x21: {  	s3 =	sadd.s32 s3, s9;
	s6 =	sadd.s32 @!p0 $0x88, s6;
	s7 =	simm.s32 @p2 $0x1082  }
0x22: {  	[simem:s7], [sflag:s8] =	dma.local @!p0 [hbm:s6], $0xF7A  }
0x23: {  	s9 =	sor.u32 $0xD0000000, s2;
	s6 =	simm.s32 $0x108;
	_ =	swait.ge @!p0 [sflag:s8], $0x0  }
0x24: {  	s3 =	sadd.s32 $0x88, s3;
	s6 =	simm.s32 @!p1 $0x1082;
	[sflag:s4] =	ssyncset.s32 $0xFFFFF086  }
0x25: {  	[simem:s6], [sflag:s4] =	dma.local [hbm:s3], $0xF7A  }
0x26: {  	[smem:$0x3F93] =	sst s1;
	(tag) =	ssettag s2;
	_ =	strace s9  }
0x27: {  	s1 =	sld [smem:$0x3FA3]  }
0x28: {  	s2 =	sld [smem:$0x3FA4]  }
0x29: {  	s4 =	sld [smem:$0x3FA6]  }
0x2a: {  	p0 =	seq.s32 s5, $0x0;
	s5 =	sld [smem:$0x3FA7]  }
0x2b: {  	s6 =	sld [smem:$0x3FA8]  }
0x2c: {  	s7 =	sld [smem:$0x3FA9]  }
0x2d: {  	s3 =	simm.s32 $0x108;
	s8 =	sld [smem:$0x3FAA]  }
0x2e: {  	s3 =	simm.s32 @!p0 $0x1082;
	s9 =	sld [smem:$0x3FAB]  }
0x2f: {  	lr =	sadd.s32 s0, s3;
	s0 =	sld [smem:$0x3FA2]  }
0x30: {  	s3 =	sld [smem:$0x3FA5]  }
0x31: {  	[smem:$0x3FAE] =	sst s10  }
0x32: {  	s10 =	sld [smem:$0x3FAC];
	_ =	sdelay $0x3  }
0x33: {  	p0 =	seq.s32 s10, $0x1;
	s10 =	sld [smem:$0x3FAE];
	_ =	sdelay $0x3  }
0x34: {  	[smem:$0x3FAE] =	sst s10  }
0x35: {  	s10 =	sld [smem:$0x3FAD];
	_ =	sdelay $0x3  }
0x36: {  	p1 =	seq.s32 s10, $0x1;
	s10 =	sld [smem:$0x3FAE];
	_ =	sdelay $0x3  }
0x37: {  	[smem:$0x3FAE] =	sst s10  }
0x38: {  	s10 =	sld [smem:$0x3FAF]  }
0x39: {  	_ = 	snop;
	(pc) =	sbr.ind lr, $3  }
0x3a: {  	_ = 	snop  }
0x3b: {  	_ = 	snop  }
0x3c: {  	p2 =	seq.s32 s10, $0x1;
	s10 =	sld [smem:$0x3FAE]  }
0x3d: {  	_ =	shalt  }
0x3e: {  	_ =	shalt  }
0x3f: {  	_ =	shalt  }
0x40: {  	_ =	shalt  }
0x41: {  	_ =	shalt  }
0x42: {  	_ =	shalt  }
0x43: {  	_ =	shalt  }
0x44: {  	_ =	shalt  }
0x45: {  	_ =	shalt  }
0x46: {  	_ =	shalt  }
0x47: {  	_ =	shalt  }
0x48: {  	_ =	shalt  }
0x49: {  	_ =	shalt  }
0x4a: {  	_ =	shalt  }
0x4b: {  	_ =	shalt  }
0x4c: {  	_ =	shalt  }
0x4d: {  	_ =	shalt  }
0x4e: {  	_ =	shalt  }
0x4f: {  	_ =	shalt  }
0x50: {  	_ =	shalt  }
0x51: {  	_ =	shalt  }
0x52: {  	_ =	shalt  }
0x53: {  	_ =	shalt  }
0x54: {  	_ =	shalt  }
0x55: {  	_ =	shalt  }
0x56: {  	_ =	shalt  }
0x57: {  	_ =	shalt  }
0x58: {  	_ =	shalt  }
0x59: {  	_ =	shalt  }
0x5a: {  	_ =	shalt  }
0x5b: {  	_ =	shalt  }
0x5c: {  	_ =	shalt  }
0x5d: {  	_ =	shalt  }
0x5e: {  	_ =	shalt  }
0x5f: {  	_ =	shalt  }
0x60: {  	_ =	shalt  }
0x61: {  	_ =	shalt  }
0x62: {  	_ =	shalt  }
0x63: {  	_ =	shalt  }
0x64: {  	_ =	shalt  }
0x65: {  	_ =	shalt  }
0x66: {  	_ =	shalt  }
0x67: {  	_ =	shalt  }
0x68: {  	_ =	shalt  }
0x69: {  	_ =	shalt  }
0x6a: {  	_ =	shalt  }
0x6b: {  	_ =	shalt  }
0x6c: {  	_ =	shalt  }
0x6d: {  	_ =	shalt  }
0x6e: {  	_ =	shalt  }
0x6f: {  	_ =	shalt  }
0x70: {  	_ =	shalt  }
0x71: {  	_ =	shalt  }
0x72: {  	_ =	shalt  }
0x73: {  	_ =	shalt  }
0x74: {  	_ =	shalt  }
0x75: {  	_ =	shalt  }
0x76: {  	_ =	shalt  }
0x77: {  	_ =	shalt  }
0x78: {  	_ =	shalt  }
0x79: {  	_ =	shalt  }
0x7a: {  	_ =	shalt  }
0x7b: {  	_ =	shalt  }
0x7c: {  	_ =	shalt  }
0x7d: {  	_ =	shalt  }
0x7e: {  	_ =	shalt  }
0x7f: {  	_ =	shalt  }
0x80: {  	_ =	shalt  }
0x81: {  	_ =	shalt  }
0x82: {  	_ =	shalt  }
0x83: {  	_ =	shalt  }
0x84: {  	_ =	shalt  }
0x85: {  	_ =	shalt  }
0x86: {  	_ =	shalt  }
0x87: {  	_ =	shalt  }
.Lfunc_end0:
.L_simem_size_0:
called_computation.1_lowered:
.L_overlay_start_0:
0x88: {  	s2 =	sld [smem:$0x3FD9]  }
0x89: {  	s3 =	sld [smem:$0x3FFE];
	_ =	sdelay $0x1  }
0x8a: {  	s1 =	srdreg.scid  }
0x8b: {  	s0 =	sand.u32 $0x1, s1  }
0x8c: {  	s17 =	sshll.u32 s0, $0xA;
	s2 =	sadd.s32 s3, s2  }
0x8d: {  	s2 =	sadd.s32 s2, s17  }
0x8e: {  	[smem:$0x3FBA] =	sst s2  }
0x8f: {  	_ = 	snop  }
0x90: {  	s2 =	sld [smem:$0x3FC8];
	(tm) =	ssettm $0x1  }
0x91: {  	s18 =	sld [smem:$0x3FFB];
	_ =	sdelay $0x3  }
0x92: {  	_ =	strace s18  }
0x93: {  	s3 =	sld [smem:$0x3FFC];
	_ =	sdelay $0x3  }
0x94: {  	_ =	strace s3  }
0x95: {  	s3 =	sld [smem:$0x3FFD];
	_ =	sdelay $0x3  }
0x96: {  	_ =	strace s3  }
0x97: {  	_ =	strace $0x8FFFFFFF  }
0x98: {  	s19 =	sld [smem:$0x3FDB];
	_ =	sdelay $0x1  }
0x99: {  	s4 =	simm.s32 $_scs_section_size  }
0x9a: {  	s5 =	simm.s32 $_size__tile_overlayer_lowered;
	s6 =	simm.s32 $_tile_overlayer_lowered  }
0x9b: {  	s22 =	simm.s32 $0x1BFF;
	s21 =	sshll.u32 s6, $0x1;
	s3 =	sadd.s32 s4, s19  }
0x9c: {  	s7 =	simm.s32 $0x0;
	s20 =	sshll.u32 s5, $0x1;
	s5 =	sadd.s32 s21, s3  }
0x9d: {  	[timem:s7], [sflag:s22] =	dma.local [hbm:s5], s20  }
0x9e: {  	_ =	swait.ge [sflag:s22], s20  }
0x9f: {  	s4 =	ssub.s32 $0x0, s20;
	[sflag:s22] =	ssyncset.done $0x0  }
0xa0: {  	[sflag:s22] =	ssyncadd.s32 s4;
	_ =	sdelay $0x1  }
0xa1: {  	s23 =	simm.s32 $0x1B8B  }
0xa2: {  	_ =	swait.ge [sflag:s23], $0x1  }
0xa3: {  	[sflag:s23] =	ssyncset.done $0x0  }
0xa4: {  	s25 =	simm.s32 $0x1B8E;
	s24 =	sld [smem:$0x3FFE];
	[sflag:s23] =	ssyncadd.s32 $0xFFFFFFFF  }
0xa5: {  	s26 =	simm.s32 $execute0_lowered;
	[smem:$0x3FD2] =	sst s25  }
0xa6: {  	s5 =	sshll.u32 s26, $0x1;
	_ =	strace $0x80000046;
	[dreg:$0x1] =	wrdreg $0xFFFFFFFF  }
0xa7: {  	s28 =	simm.s32 $_size_execute0_lowered;
	s3 =	sadd.s32 s3, s5;
	[dreg:$0x0] =	wrdreg $0x0  }
0xa8: {  	s5 =	sshll.u32 s28, $0x1;
	[dreg:$0x2] =	wrdreg s3  }
0xa9: {  	[dreg:$0x3] =	wrdreg s5  }
0xaa: {  	[dreg:$0x4] =	wrdreg $0xC0  }
0xab: {  	_ =	task [dreg:s7], $0x5FFFF  }
0xac: {  	[dreg:$0x1] =	wrdreg $0xFFFFFFFF  }
0xad: {  	[dreg:$0x0] =	wrdreg $0x60  }
0xae: {  	[dreg:$0x2] =	wrdreg s2  }
0xaf: {  	[dreg:$0x3] =	wrdreg s24  }
0xb0: {  	[dreg:$0x4] =	wrdreg $0xA  }
0xb1: {  	_ =	task.clear_ibuf [dreg:s7], $0x5FFFF;
	_ =	strace $0x90000046  }
0xb2: {  	s29 =	simm.s32 $0xA;
	_ =	strace $0x80000048  }
0xb3: {  	_ =	swait.ge [sflag:s29], $0x1  }
0xb4: {  	[sflag:s29] =	ssyncadd.s32 $0xFFFFFFFF  }
0xb5: {  	_ =	strace $0x90000048  }
0xb6: {  	_ =	sfence  }
0xb7: {  	s30 =	sld [smem:$0x0];
	_ =	sdelay $0x2  }
0xb8: {  	s31 =	sshll.u32 s1, $0xD;
	s1 =	sshrl.u32 s1, $0x2  }
0xb9: {  	s3 =	sand.u32 $0x4000, s31;
	s1 =	sadd.s32 s1, s30  }
0xba: {  	s0 =	sor.u32 s3, s0;
	s1 =	sshll.u32 s1, $0x11  }
0xbb: {  	s0 =	sor.u32 s1, s0  }
0xbc: {  	s0 =	sadd.s32 $0x8F2B, s0  }
0xbd: {  	[sflag:s0] =	ssyncadd.remote.s32 $0x1  }
0xbe: {  	_ =	sfence.sel $0xFFFF  }
0xbf: {  	[dreg:$0x0] =	wrdreg $0xFFFFFFFF;
	(pc) =	sbr.abs _section_cstart, $3  }
0xc0: {  	[dreg:$0x1] =	wrdreg $0xFFFFFFFF  }
0xc1: {  	_ =	task.clear_ibuf [dreg:s7], $0x2FFFF;
	_ =	strace $0x9FFFFFFF  }
0xc2: {  	(tm) =	ssettm $0x7FFFFFFF  }
0xc3: {  	_ =	shalt  }
tec
execute0_lowered:
.L_overlay_start_1:
0x0: {  	(tag) =	ssettag $0x1  }
0x1: {  	s4 =	rddreg [dreg:$0x0]  }
0x2: {  	s5 =	rddreg [dreg:$0x1]  }
0x3: {  	s0 =	rddreg [dreg:$0x2]  }
0x4: {  	s3 =	srdreg.scid;
	s2 =	simm.s32 $0x0;
	s1 =	stileid.u32  }
0x5: {  	s9 =	simm.s32 $0x200;
	s10 =	simm.s32 $0x2;
	s11 =	simm.s32 $0x0  }
0x6: {  	s6 =	sand.u32 $0x1, s3;
	[smem:$0x7FF] =	sst s2;
	s30 =	sshll.u32 s1, $0xA  }
0x7: {  	s3 =	sadd.s32 $0x1E86000, s5;
	s7 =	sshll.u32 s6, $0x9;
	s6 =	ssub.s32 $0x2, s6  }
0x8: {  	_ =	strace $0x80000047;
	s7 =	sor.u32 s7, s30;
	s31 =	sshrl.u32 s6, $0x1  }
0x9: {  	s8 =	sshll.u32 s7, $0x4;
	s7 =	sshrl.u32 s7, $0x3;
	s6 =	ssub.s32 s6, s31  }
0xa: {  	s5 =	sadd.s32 s8, s5;
	s4 =	sadd.s32 s4, s7;
	s6 =	smax.u32 s6, $0x1  }
0xb: {  	vm0 =	vmmov $0xffff;
	s7 =	simm.s32 $0x3;
	s8 =	simm.s32 $0x1;
	s5 =	sadd.s32 $0x1800, s5  }
.LBB2_1:
0xc: {  	[tilespmem:s2], [sflag:$0x3] =	stream.linear.gather [hbm4b:s4+s2], $0x200, $0x38;
	[tilespmem:$0x10200] =	vst v63  }
0xd: {  	_ =	swait.ge [sflag:s7], $0x200  }
0xe: {  	[sflag:s7] =	ssyncset.done $0x0  }
0xf: {  	s12 =	simm.s32 $0x0;
	[sflag:s7] =	ssyncadd.s32 $0xFFFFFE00  }
0x10: {  	v0 =	vld [tilespmem:s12+$0x0];
	_ =	sdelay $0x6  }
0x11: {  	s31 =	simm.s32 $0x10  }
0x12: {  	[tilespmem:s9], [sflag:$0x1] =	stream.indirect_vreg.gather [hbm4b:s3+s2], $0x80, v0, vm0, $0xb8;
	[tilespmem:$0x10200] =	vst v63  }
0x13: {  	s13 =	simm.s32 $0x80;
	s12 =	simm.s32 $0x200;
	v0 =	vld [tilespmem:s31+$0x0]  }
.LBB2_2:
0x14: {  	p0 =	sne.s32 s13, $0x7C0;
	_ =	sdelay $0x3  }
.Ltmp0:
0x15: {  	(pc) =	sbr.rel @p0 .LBB2_2-.Ltmp0, $4  }
0x16: {  	_ = 	snop  }
0x17: {  	s14 =	sshra.s32 s13, $0x2;
	s12 =	sadd.s32 $0x800, s12  }
0x18: {  	[tilespmem:s12], [sflag:$0x1] =	stream.indirect_vreg.gather [hbm4b:s3+s2], $0x80, v0, vm0, $0xb8;
	[tilespmem:$0x10200] =	vst v63  }
0x19: {  	s13 =	sadd.s32 $0x40, s13;
	v0 =	vld [tilespmem:s14+$0x0]  }
0x1a: {  	_ =	sdelay $0x6  }
0x1b: {  	s12 =	sadd.s32 $0x800, s12  }
0x1c: {  	[tilespmem:s12], [sflag:$0x1] =	stream.indirect_vreg.gather [hbm4b:s3+s2], $0x80, v0, vm0, $0xb8;
	[tilespmem:$0x10200] =	vst v63  }
0x1d: {  	_ =	swait.ge [sflag:s8], $0x800  }
0x1e: {  	[sflag:s8] =	ssyncset.done $0x0  }
0x1f: {  	[sflag:s8] =	ssyncadd.s32 $0xFFFFF800  }
0x20: {  	_ =	swait.ge [sflag:s8], $0x800  }
0x21: {  	[sflag:s8] =	ssyncset.done $0x0  }
0x22: {  	[sflag:s8] =	ssyncadd.s32 $0xFFFFF800  }
0x23: {  	_ =	swait.ge [sflag:s8], $0x800  }
0x24: {  	[sflag:s8] =	ssyncset.done $0x0  }
0x25: {  	[sflag:s8] =	ssyncadd.s32 $0xFFFFF800  }
0x26: {  	_ =	swait.ge [sflag:s8], $0x800  }
0x27: {  	[sflag:s8] =	ssyncset.done $0x0  }
0x28: {  	[sflag:s8] =	ssyncadd.s32 $0xFFFFF800  }
0x29: {  	_ =	swait.ge [sflag:s8], $0x800  }
0x2a: {  	[sflag:s8] =	ssyncset.done $0x0  }
0x2b: {  	[sflag:s8] =	ssyncadd.s32 $0xFFFFF800  }
0x2c: {  	_ =	swait.ge [sflag:s8], $0x800  }
0x2d: {  	[sflag:s8] =	ssyncset.done $0x0  }
0x2e: {  	[sflag:s8] =	ssyncadd.s32 $0xFFFFF800  }
0x2f: {  	_ =	swait.ge [sflag:s8], $0x800  }
0x30: {  	[sflag:s8] =	ssyncset.done $0x0  }
0x31: {  	[sflag:s8] =	ssyncadd.s32 $0xFFFFF800  }
0x32: {  	_ =	swait.ge [sflag:s8], $0x800  }
0x33: {  	[sflag:s8] =	ssyncset.done $0x0  }
0x34: {  	[sflag:s8] =	ssyncadd.s32 $0xFFFFF800  }
0x35: {  	_ =	swait.ge [sflag:s8], $0x800  }
0x36: {  	[sflag:s8] =	ssyncset.done $0x0  }
0x37: {  	[sflag:s8] =	ssyncadd.s32 $0xFFFFF800  }
0x38: {  	_ =	swait.ge [sflag:s8], $0x800  }
0x39: {  	[sflag:s8] =	ssyncset.done $0x0  }
0x3a: {  	[sflag:s8] =	ssyncadd.s32 $0xFFFFF800  }
0x3b: {  	_ =	swait.ge [sflag:s8], $0x800  }
0x3c: {  	[sflag:s8] =	ssyncset.done $0x0  }
0x3d: {  	[sflag:s8] =	ssyncadd.s32 $0xFFFFF800  }
0x3e: {  	_ =	swait.ge [sflag:s8], $0x800  }
0x3f: {  	[sflag:s8] =	ssyncset.done $0x0  }
0x40: {  	[sflag:s8] =	ssyncadd.s32 $0xFFFFF800  }
0x41: {  	_ =	swait.ge [sflag:s8], $0x800  }
0x42: {  	[sflag:s8] =	ssyncset.done $0x0  }
0x43: {  	[sflag:s8] =	ssyncadd.s32 $0xFFFFF800  }
0x44: {  	_ =	swait.ge [sflag:s8], $0x800  }
0x45: {  	[sflag:s8] =	ssyncset.done $0x0  }
0x46: {  	[sflag:s8] =	ssyncadd.s32 $0xFFFFF800  }
0x47: {  	_ =	swait.ge [sflag:s8], $0x800  }
0x48: {  	[sflag:s8] =	ssyncset.done $0x0  }
0x49: {  	[sflag:s8] =	ssyncadd.s32 $0xFFFFF800  }
0x4a: {  	_ =	swait.ge [sflag:s8], $0x800  }
0x4b: {  	[sflag:s8] =	ssyncset.done $0x0  }
0x4c: {  	[sflag:s8] =	ssyncadd.s32 $0xFFFFF800  }
0x4d: {  	_ =	swait.ge [sflag:s8], $0x800  }
0x4e: {  	[sflag:s8] =	ssyncset.done $0x0  }
0x4f: {  	[sflag:s8] =	ssyncadd.s32 $0xFFFFF800  }
0x50: {  	_ =	swait.ge [sflag:s8], $0x800  }
0x51: {  	[sflag:s8] =	ssyncset.done $0x0  }
0x52: {  	[sflag:s8] =	ssyncadd.s32 $0xFFFFF800  }
0x53: {  	_ =	swait.ge [sflag:s8], $0x800  }
0x54: {  	[sflag:s8] =	ssyncset.done $0x0  }
0x55: {  	[sflag:s8] =	ssyncadd.s32 $0xFFFFF800  }
0x56: {  	_ =	swait.ge [sflag:s8], $0x800  }
0x57: {  	[sflag:s8] =	ssyncset.done $0x0  }
0x58: {  	[sflag:s8] =	ssyncadd.s32 $0xFFFFF800  }
0x59: {  	_ =	swait.ge [sflag:s8], $0x800  }
0x5a: {  	[sflag:s8] =	ssyncset.done $0x0  }
0x5b: {  	[sflag:s8] =	ssyncadd.s32 $0xFFFFF800  }
0x5c: {  	_ =	swait.ge [sflag:s8], $0x800  }
0x5d: {  	[sflag:s8] =	ssyncset.done $0x0  }
0x5e: {  	[sflag:s8] =	ssyncadd.s32 $0xFFFFF800  }
0x5f: {  	_ =	swait.ge [sflag:s8], $0x800  }
0x60: {  	[sflag:s8] =	ssyncset.done $0x0  }
0x61: {  	[sflag:s8] =	ssyncadd.s32 $0xFFFFF800  }
0x62: {  	_ =	swait.ge [sflag:s8], $0x800  }
0x63: {  	[sflag:s8] =	ssyncset.done $0x0  }
0x64: {  	[sflag:s8] =	ssyncadd.s32 $0xFFFFF800  }
0x65: {  	_ =	swait.ge [sflag:s8], $0x800  }
0x66: {  	[sflag:s8] =	ssyncset.done $0x0  }
0x67: {  	[sflag:s8] =	ssyncadd.s32 $0xFFFFF800  }
0x68: {  	_ =	swait.ge [sflag:s8], $0x800  }
0x69: {  	[sflag:s8] =	ssyncset.done $0x0  }
0x6a: {  	[sflag:s8] =	ssyncadd.s32 $0xFFFFF800  }
0x6b: {  	_ =	swait.ge [sflag:s8], $0x800  }
0x6c: {  	[sflag:s8] =	ssyncset.done $0x0  }
0x6d: {  	[sflag:s8] =	ssyncadd.s32 $0xFFFFF800  }
0x6e: {  	_ =	swait.ge [sflag:s8], $0x800  }
0x6f: {  	[sflag:s8] =	ssyncset.done $0x0  }
0x70: {  	[sflag:s8] =	ssyncadd.s32 $0xFFFFF800  }
0x71: {  	_ =	swait.ge [sflag:s8], $0x800  }
0x72: {  	[sflag:s8] =	ssyncset.done $0x0  }
0x73: {  	[sflag:s8] =	ssyncadd.s32 $0xFFFFF800  }
0x74: {  	_ =	swait.ge [sflag:s8], $0x800  }
0x75: {  	[sflag:s8] =	ssyncset.done $0x0  }
0x76: {  	[sflag:s8] =	ssyncadd.s32 $0xFFFFF800  }
0x77: {  	_ =	swait.ge [sflag:s8], $0x800  }
0x78: {  	[sflag:s8] =	ssyncset.done $0x0  }
0x79: {  	[sflag:s8] =	ssyncadd.s32 $0xFFFFF800  }
0x7a: {  	s11 =	sadd.s32 $0x1, s11;
	_ =	swait.ge [sflag:s8], $0x800  }
0x7b: {  	p0 =	sne.s32 s11, s6;
	[sflag:s8] =	ssyncset.done $0x0  }
.Ltmp1:
0x7c: {  	[sflag:s8] =	ssyncadd.s32 $0xFFFFF800;
	(pc) =	sbr.rel @p0 .LBB2_1-.Ltmp1, $4  }
0x7d: {  	[hbm4b:s5+s2] =	stream.linear.scatter [tilespmem:s9], [sflag:$0x2], $0x10000, $0x38;
	[tilespmem:$0x10200] =	vst v63  }
0x7e: {  	_ =	swait.ge [sflag:s10], $0x10000  }
0x7f: {  	[sflag:s10] =	ssyncset.done $0x0  }
0x80: {  	[sflag:s10] =	ssyncadd.s32 $0xFFFF0000  }
0x81: {  	_ =	sfence.sel $0x180000  }
0x82: {  	[bflag:$0x0] =	sbarrier.arrive $0xFFFF  }
0x83: {  	p0 =	sne.s32 s1, $0x0;
	_ =	strace $0x90000047  }
0x84: {  	s0 =	sadd.s32 @!p0 $0x100000, s0;
	[bflag:$0x2] =	sbarrier.arrive $0xFFFF  }
0x85: {  	[sflag:s0] =	ssyncadd.tile.s32 @!p0 $0x1;
	_ =	shalt  }
.Lfunc_end2:
_tile_overlayer_lowered:
.L_overlay_start_2:
0x86: {  	(tag) =	ssettag $0x2  }
0x87: {  	s0 =	rddreg [dreg:$0x0];
	s2 =	stileid.u32  }
0x88: {  	s1 =	rddreg [dreg:$0x1];
	p0 =	sne.s32 s2, $0x0  }
0x89: {  	s3 =	rddreg [dreg:$0x2];
	[bflag:$0x3] =	sbarrier.arrive $0xFFFF;
	s2 =	simm.s32 @!p0 $0x1C03  }
0x8a: {  	[timem:s3], [sflag:s2] =	dma.local @!p0 [hbm:s0], s1  }
0x8b: {  	s0 =	simm.s32 @!p0 $0x3  }
0x8c: {  	_ =	swait.ge @!p0 [sflag:s0], s1  }
0x8d: {  	s1 =	ssub.s32 @!p0 $0x0, s1;
	[sflag:s0] =	ssyncset.done @!p0 $0x0  }
0x8e: {  	[sflag:s0] =	ssyncadd.s32 @!p0 s1  }
0x8f: {  	[bflag:$0x3] =	sbarrier.arrive $0xFFFF  }
0x90: {  	_ =	shalt  }

</sc_bundles>
